<compile_context>
chip_gen: v7x
topology: tpu7x:2x2x1
jax: 0.10.2.dev20260603
libtpu: 0.0.44.dev20260713+nightly
codegen_flags: <defaults>
</compile_context>

<pallas_src>
import functools

import jax
import jax.numpy as jnp
from jax import lax
from jax.experimental import pallas as pl
from jax.experimental.pallas import tpu as pltpu
from jax.experimental.pallas import tpu_sc as plsc

N = 10000
E = 160000
D = 256
B = 8
EPS = 1e-5

HW = 64
NSLAB = 4
NSC = 2
NTILE = 16
RPT = N // NTILE
EPT = E // NTILE
CH = 125
NCHUNK = EPT // CH
NBUF = 5
ZR = 125
DW = 8

RBLK = 2000
NBLK = N // RBLK


def _sc_body(x4_hbm, srcs_hbm, dst_hbm, zrows_hbm, zdeg_hbm, ones_hbm,
             out_hbm, deg_hbm,
             acc_sh, accdeg_sh, ones_v, zt_v, sidx_v, didx_v,
             *ring):
    c = lax.axis_index("c")
    s = lax.axis_index("s")
    rows = list(ring[:NBUF])
    gsems = list(ring[NBUF:2 * NBUF])
    ssems = list(ring[2 * NBUF:3 * NBUF])
    dsems = list(ring[3 * NBUF:4 * NBUF])

    pltpu.sync_copy(ones_hbm, ones_v)
    pltpu.sync_copy(zrows_hbm, zt_v)
    pltpu.sync_copy(dst_hbm.at[pl.ds(s * NCHUNK, NCHUNK)], didx_v)

    for p in range(NSLAB // NSC):
        slab = c + NSC * p
        for z in range(RPT // ZR):
            pltpu.sync_copy(zt_v, acc_sh.at[pl.ds(s * RPT + z * ZR, ZR)])
        if p == 0:
            pltpu.sync_copy(zdeg_hbm, accdeg_sh.at[pl.ds(s * RPT, RPT)])
        pltpu.sync_copy(
            srcs_hbm.at[pl.ds(slab * (NTILE * NCHUNK) + s * NCHUNK, NCHUNK)],
            sidx_v)
        plsc.subcore_barrier()

        for b in range(NBUF - 1):
            pltpu.async_copy(x4_hbm.at[sidx_v.at[b]], rows[b], gsems[b])

        def outer(i, carry):
            for b in range(NBUF):
                j = i * NBUF + b
                pltpu.make_async_copy(x4_hbm.at[sidx_v.at[j]],
                                      rows[b], gsems[b]).wait()
                pltpu.async_copy(rows[b], acc_sh.at[didx_v.at[j]], ssems[b],
                                 add=True)
                if p == 0:
                    pltpu.async_copy(ones_v, accdeg_sh.at[didx_v.at[j]],
                                     dsems[b], add=True)

                g = j + NBUF - 1
                bp = (b + NBUF - 1) % NBUF
                cond = (g < NCHUNK) if b != 0 else ((g < NCHUNK) & (j >= 1))

                @pl.when(cond)
                def _():
                    pltpu.make_async_copy(rows[bp],
                                          acc_sh.at[didx_v.at[j - 1]],
                                          ssems[bp]).wait()
                    if p == 0:
                        pltpu.make_async_copy(ones_v,
                                              accdeg_sh.at[didx_v.at[j - 1]],
                                              dsems[bp]).wait()
                    pltpu.async_copy(x4_hbm.at[sidx_v.at[g]],
                                     rows[bp], gsems[bp])

                if b == 0:
                    @pl.when(j == 0)
                    def _():
                        pltpu.async_copy(x4_hbm.at[sidx_v.at[g]],
                                         rows[bp], gsems[bp])
            return carry

        lax.fori_loop(0, NCHUNK // NBUF, outer, 0)

        for b in range(NBUF):
            jl = NCHUNK - NBUF + b
            pltpu.make_async_copy(rows[b], acc_sh.at[didx_v.at[jl]],
                                  ssems[b]).wait()
            if p == 0:
                pltpu.make_async_copy(ones_v, accdeg_sh.at[didx_v.at[jl]],
                                      dsems[b]).wait()

        plsc.subcore_barrier()
        pltpu.sync_copy(acc_sh.at[pl.ds(s * RPT, RPT)],
                        out_hbm.at[pl.ds(slab * N + s * RPT, RPT)])
        if p == 0:
            @pl.when(c == 0)
            def _():
                pltpu.sync_copy(accdeg_sh.at[pl.ds(s * RPT, RPT)],
                                deg_hbm.at[pl.ds(s * RPT, RPT)])


@functools.cache
def _sc_segment():
    return pl.kernel(
        _sc_body,
        out_type=(jax.ShapeDtypeStruct((NSLAB * N, HW), jnp.float32),
                  jax.ShapeDtypeStruct((N, DW), jnp.float32)),
        mesh=plsc.VectorSubcoreMesh(core_axis_name="c", subcore_axis_name="s",
                                    num_cores=NSC, num_subcores=NTILE),
        scratch_types=[
            pltpu.VMEM_SHARED((N, HW), jnp.float32),
            pltpu.VMEM_SHARED((N, DW), jnp.float32),
            pltpu.VMEM((CH, DW), jnp.float32),
            pltpu.VMEM((ZR, HW), jnp.float32),
            pltpu.VMEM((NCHUNK, CH), jnp.int32),
            pltpu.VMEM((NCHUNK, CH), jnp.int32),
        ] + [pltpu.VMEM((CH, HW), jnp.float32)] * NBUF
          + [pltpu.SemaphoreType.DMA] * (3 * NBUF),
        compiler_params=pltpu.CompilerParams(use_tc_tiling_on_sc=False),
    )


def _bn_rows(t, g, b):
    m = jnp.mean(t, axis=0, keepdims=True)
    v = jnp.mean((t - m) * (t - m), axis=0, keepdims=True)
    return (t - m) * lax.rsqrt(v + EPS) * g + b


def _ft_body(x_ref, d_ref, bid_ref, w_ref, bconv_ref, cw_ref,
             gamma_ref, beta_ref, vn_ref,
             w1_ref, b1_ref, g1_ref, be1_ref, w2_ref, b2_ref, g2_ref, be2_ref,
             hout_ref, vnout_ref, h2_sc, stat_sc, pooled_ref):
    p = pl.program_id(0)
    i = pl.program_id(1)

    @pl.when(p == 0)
    def _():
        deg = d_ref[:, 0]
        inv_d = 1.0 / jnp.maximum(deg, 1.0)
        sw = jnp.dot(x_ref[0, 0], w_ref[0], preferred_element_type=jnp.float32)
        for q in range(1, NSLAB):
            sw += jnp.dot(x_ref[q, 0], w_ref[q],
                          preferred_element_type=jnp.float32)
        z = (sw + deg[:, None] * cw_ref[...]) * inv_d[:, None] + bconv_ref[...]
        h2 = jnp.maximum(z, 0.0)
        h2_sc[pl.ds(i * RBLK, RBLK), :] = h2
        s1 = jnp.sum(h2, axis=0)[None, :]
        s2 = jnp.sum(h2 * h2, axis=0)[None, :]
        blk = jnp.concatenate([s1, s2, jnp.zeros((6, D), jnp.float32)], axis=0)

        @pl.when(i == 0)
        def _():
            stat_sc[...] = blk

        @pl.when(i > 0)
        def _():
            stat_sc[...] = stat_sc[...] + blk

    @pl.when(p == 1)
    def _():
        mean = stat_sc[0, :] * (1.0 / N)
        var = stat_sc[1, :] * (1.0 / N) - mean * mean
        inv = lax.rsqrt(var + EPS)
        h2 = h2_sc[pl.ds(i * RBLK, RBLK), :]
        hn = (h2 - mean[None, :]) * inv[None, :] * gamma_ref[...] + beta_ref[...]
        hout_ref[...] = hn

        bb = bid_ref[0, 0]
        rows = lax.broadcasted_iota(jnp.int32, (B, RBLK), 0)
        oh = (bb[None, :] == rows).astype(jnp.float32)
        part = jnp.dot(oh, hn, preferred_element_type=jnp.float32)

        @pl.when(i == 0)
        def _():
            pooled_ref[...] = part

        @pl.when(i > 0)
        def _():
            pooled_ref[...] = pooled_ref[...] + part

        @pl.when(i == NBLK - 1)
        def _():
            pooled = pooled_ref[...] + vn_ref[...]
            t = jnp.dot(pooled, w1_ref[...],
                        preferred_element_type=jnp.float32) + b1_ref[...]
            t = _bn_rows(t, g1_ref[...], be1_ref[...])
            t = jnp.maximum(t, 0.0)
            t = jnp.dot(t, w2_ref[...],
                        preferred_element_type=jnp.float32) + b2_ref[...]
            t = _bn_rows(t, g2_ref[...], be2_ref[...])
            t = jnp.maximum(t, 0.0)
            vnout_ref[...] = t


def _ft_call(xr, degm, bid3, wslab, bconv, cw, gamma, beta, vn0,
             w1, b1, g1, be1, w2, b2, g2, be2):
    row = pl.BlockSpec((1, D), lambda p, i: (0, 0))
    sq = pl.BlockSpec((D, D), lambda p, i: (0, 0))
    return pl.pallas_call(
        _ft_body,
        grid=(2, NBLK),
        in_specs=[
            pl.BlockSpec((NSLAB, 1, RBLK, HW), lambda p, i: (0, i * (1 - p), 0, 0)),
            pl.BlockSpec((RBLK, DW), lambda p, i: (i * (1 - p), 0)),
            pl.BlockSpec((1, 1, RBLK), lambda p, i: (i * p, 0, 0)),
            pl.BlockSpec((NSLAB, HW, D), lambda p, i: (0, 0, 0)),
            row, row, row, row, row, sq, row, row, row, sq, row, row, row,
        ],
        out_specs=[
            pl.BlockSpec((RBLK, D), lambda p, i: (i * p, 0)),
            pl.BlockSpec((B, D), lambda p, i: (0, 0)),
        ],
        out_shape=[
            jax.ShapeDtypeStruct((N, D), jnp.float32),
            jax.ShapeDtypeStruct((B, D), jnp.float32),
        ],
        scratch_shapes=[
            pltpu.VMEM((N, D), jnp.float32),
            pltpu.VMEM((8, D), jnp.float32),
            pltpu.VMEM((B, D), jnp.float32),
        ],
    )(xr, degm, bid3, wslab, bconv, cw, gamma, beta, vn0,
      w1, b1, g1, be1, w2, b2, g2, be2)


def kernel(x, vn_table, W_conv, b_conv, gamma, beta, W1, b1, g1, be1,
           W2, b2, g2, be2, edge_index, batch_id):
    f32 = jnp.float32
    x4 = x.reshape(NSLAB * N, HW)
    src = edge_index[0]
    s4 = src * NSLAB
    srcs = jnp.concatenate([s4, s4 + 1, s4 + 2, s4 + 3]).reshape(
        NSLAB * NTILE * NCHUNK, CH)
    dst2 = edge_index[1].reshape(NTILE * NCHUNK, CH)
    zrows = jnp.zeros((ZR, HW), f32)
    zdeg = jnp.zeros((RPT, DW), f32)
    ones8 = jnp.ones((CH, DW), f32)

    sc_out, degm = _sc_segment()(x4, srcs, dst2, zrows, zdeg, ones8)
    xr = sc_out.reshape(NSLAB, NBLK, RBLK, HW)

    wslab = W_conv.reshape(NSLAB, HW, D)
    cw = vn_table @ W_conv

    bid3 = batch_id.reshape(NBLK, 1, RBLK)
    h_out, vn_new = _ft_call(
        xr, degm, bid3, wslab, b_conv.reshape(1, D), cw,
        gamma.reshape(1, D), beta.reshape(1, D), vn_table,
        W1, b1.reshape(1, D), g1.reshape(1, D), be1.reshape(1, D),
        W2, b2.reshape(1, D), g2.reshape(1, D), be2.reshape(1, D))
    return (h_out, vn_new)

# --- scband reference (transcript-rebuilt; emitter-appended) ---
"""Pipeline reference for scband-virtual-node-79886391705664 (READ-ONLY COPY).

The authoritative reference and input builder live on the scoring server;
editing this copy changes nothing except your own understanding.
"""

import jax, jax.numpy as jnp
import numpy as np

N = 10000
E = 160000
D = 256
B = 8
EPS = 1e-5

def setup_inputs(seed: int = 0) -> dict:
    key = jax.random.key(seed)
    ks = jax.random.split(key, 16)
    x = jax.random.normal(ks[0], (N, D), dtype=jnp.float32)
    edge_index = jax.random.randint(ks[1], (2, E), 0, N, dtype=jnp.int32)
    batch_id = jnp.sort(jax.random.randint(ks[2], (N,), 0, B, dtype=jnp.int32))
    # parameters
    vn_table = jnp.zeros((1, D), dtype=jnp.float32)  # nn.Embedding(1, emb_dim) init to 0
    W_conv = jax.random.normal(ks[3], (D, D), dtype=jnp.float32) * 0.05
    b_conv = jnp.zeros((D,), dtype=jnp.float32)
    gamma = jnp.ones((D,), dtype=jnp.float32)
    beta = jnp.zeros((D,), dtype=jnp.float32)
    W1 = jax.random.normal(ks[4], (D, D), dtype=jnp.float32) * 0.05
    b1 = jnp.zeros((D,), dtype=jnp.float32)
    g1 = jnp.ones((D,), dtype=jnp.float32)
    be1 = jnp.zeros((D,), dtype=jnp.float32)
    W2 = jax.random.normal(ks[5], (D, D), dtype=jnp.float32) * 0.05
    b2 = jnp.zeros((D,), dtype=jnp.float32)
    g2 = jnp.ones((D,), dtype=jnp.float32)
    be2 = jnp.zeros((D,), dtype=jnp.float32)
    return {"x": x, "vn_table": vn_table, "W_conv": W_conv, "b_conv": b_conv,
            "gamma": gamma, "beta": beta, "W1": W1, "b1": b1, "g1": g1, "be1": be1,
            "W2": W2, "b2": b2, "g2": g2, "be2": be2,
            "edge_index": edge_index, "batch_id": batch_id}

def _bn(h, g, b):
    mean = jnp.mean(h, axis=0)
    var = jnp.var(h, axis=0)
    return (h - mean) / jnp.sqrt(var + EPS) * g + b

def reference(x, vn_table, W_conv, b_conv, gamma, beta, W1, b1, g1, be1, W2, b2, g2, be2, edge_index, batch_id):
    # virtual node embedding broadcast to each graph in the batch
    vn = vn_table[jnp.zeros((B,), dtype=jnp.int32)]  # [B, D]
    h = x + vn[batch_id]
    # conv: mean-aggregated GCN layer
    src = edge_index[0]
    dst = edge_index[1]
    agg = jax.ops.segment_sum(h[src], dst, num_segments=N)
    deg = jax.ops.segment_sum(jnp.ones((E,), dtype=jnp.float32), dst, num_segments=N)
    h = (agg / jnp.maximum(deg, 1.0)[:, None]) @ W_conv + b_conv
    h = jax.nn.relu(h)
    # batch norm over nodes (training-mode batch stats), dropout p=0.0
    h = _bn(h, gamma, beta)
    # residual=False -> skip residual add
    # sum pooling per graph + vn update MLP
    pooled = jax.ops.segment_sum(h, batch_id, num_segments=B) + vn
    t = pooled @ W1 + b1
    t = _bn(t, g1, be1)
    t = jax.nn.relu(t)
    t = t @ W2 + b2
    t = _bn(t, g2, be2)
    t = jax.nn.relu(t)
    vn_new = t  # dropout p=0.0
    return (h, vn_new)

if __name__ == "__main__":
    import jax
    _d = setup_inputs()
    print(jax.jit(kernel)(*tuple(_d.values())))

</pallas_src>

<mosaic_0001>
#map = affine_map<(d0, d1) -> (0, 0)>
module attributes {stable_mosaic.version = 14 : i64} {
  func.func @_sc_body(%arg0: i32, %arg1: i32, %arg2: memref<40000x64xf32, #tpu.memory_space<hbm>>, %arg3: memref<5120x125xi32, #tpu.memory_space<hbm>>, %arg4: memref<1280x125xi32, #tpu.memory_space<hbm>>, %arg5: memref<125x64xf32, #tpu.memory_space<hbm>>, %arg6: memref<625x8xf32, #tpu.memory_space<hbm>>, %arg7: memref<125x8xf32, #tpu.memory_space<hbm>>, %arg8: memref<40000x64xf32, #tpu.memory_space<hbm>>, %arg9: memref<10000x8xf32, #tpu.memory_space<hbm>>, %arg10: memref<10000x64xf32, #tpu.memory_space<vmem_shared>>, %arg11: memref<10000x8xf32, #tpu.memory_space<vmem_shared>>, %arg12: memref<125x8xf32, #tpu.memory_space<vmem>>, %arg13: memref<125x64xf32, #tpu.memory_space<vmem>>, %arg14: memref<80x125xi32, #tpu.memory_space<vmem>>, %arg15: memref<80x125xi32, #tpu.memory_space<vmem>>, %arg16: memref<125x64xf32, #tpu.memory_space<vmem>>, %arg17: memref<125x64xf32, #tpu.memory_space<vmem>>, %arg18: memref<125x64xf32, #tpu.memory_space<vmem>>, %arg19: memref<125x64xf32, #tpu.memory_space<vmem>>, %arg20: memref<125x64xf32, #tpu.memory_space<vmem>>, %arg21: memref<!tpu.dma_semaphore, #tpu.memory_space<semaphore_mem>>, %arg22: memref<!tpu.dma_semaphore, #tpu.memory_space<semaphore_mem>>, %arg23: memref<!tpu.dma_semaphore, #tpu.memory_space<semaphore_mem>>, %arg24: memref<!tpu.dma_semaphore, #tpu.memory_space<semaphore_mem>>, %arg25: memref<!tpu.dma_semaphore, #tpu.memory_space<semaphore_mem>>, %arg26: memref<!tpu.dma_semaphore, #tpu.memory_space<semaphore_mem>>, %arg27: memref<!tpu.dma_semaphore, #tpu.memory_space<semaphore_mem>>, %arg28: memref<!tpu.dma_semaphore, #tpu.memory_space<semaphore_mem>>, %arg29: memref<!tpu.dma_semaphore, #tpu.memory_space<semaphore_mem>>, %arg30: memref<!tpu.dma_semaphore, #tpu.memory_space<semaphore_mem>>, %arg31: memref<!tpu.dma_semaphore, #tpu.memory_space<semaphore_mem>>, %arg32: memref<!tpu.dma_semaphore, #tpu.memory_space<semaphore_mem>>, %arg33: memref<!tpu.dma_semaphore, #tpu.memory_space<semaphore_mem>>, %arg34: memref<!tpu.dma_semaphore, #tpu.memory_space<semaphore_mem>>, %arg35: memref<!tpu.dma_semaphore, #tpu.memory_space<semaphore_mem>>) attributes {dimension_semantics = [#tpu.dimension_semantics<core_parallel>, #tpu.dimension_semantics<subcore_parallel>], iteration_bounds = array<i64: 2, 16>, scalar_prefetch = 0 : i64, scratch_operands = 26 : i64, tpu.core_type = #tpu.core_type<sc_vector_subcore>, window_params = [{transform_indices = #map}, {transform_indices = #map}, {transform_indices = #map}, {transform_indices = #map}, {transform_indices = #map}, {transform_indices = #map}, {transform_indices = #map}, {transform_indices = #map}]} {
    "tpu.region"() ({
      %run_scoped3A = tpu.sem_alloc : memref<!tpu.dma_semaphore, #tpu.memory_space<semaphore_mem>>
      tpu.enqueue_dma source(%arg7 : memref<125x8xf32, #tpu.memory_space<hbm>>) target(%arg12 : memref<125x8xf32, #tpu.memory_space<vmem>>) target_semaphore(%run_scoped3A : memref<!tpu.dma_semaphore, #tpu.memory_space<semaphore_mem>>)
      tpu.wait_dma2 semaphore(%run_scoped3A : memref<!tpu.dma_semaphore, #tpu.memory_space<semaphore_mem>>) src(%arg7 : memref<125x8xf32, #tpu.memory_space<hbm>>) dst(%arg12 : memref<125x8xf32, #tpu.memory_space<vmem>>)
      tpu.yield
    }) : () -> ()
    "tpu.region"() ({
      %run_scoped3A = tpu.sem_alloc : memref<!tpu.dma_semaphore, #tpu.memory_space<semaphore_mem>>
      tpu.enqueue_dma source(%arg5 : memref<125x64xf32, #tpu.memory_space<hbm>>) target(%arg13 : memref<125x64xf32, #tpu.memory_space<vmem>>) target_semaphore(%run_scoped3A : memref<!tpu.dma_semaphore, #tpu.memory_space<semaphore_mem>>)
      tpu.wait_dma2 semaphore(%run_scoped3A : memref<!tpu.dma_semaphore, #tpu.memory_space<semaphore_mem>>) src(%arg5 : memref<125x64xf32, #tpu.memory_space<hbm>>) dst(%arg13 : memref<125x64xf32, #tpu.memory_space<vmem>>)
      tpu.yield
    }) : () -> ()
    %mul3A = arith.constant 80 : i32
    %mul3A_0 = arith.muli %arg1, %mul3A : i32
    "tpu.region"() ({
      %run_scoped3A = tpu.sem_alloc : memref<!tpu.dma_semaphore, #tpu.memory_space<semaphore_mem>>
      %dma_start3A_245 = arith.constant 0 : i32
      %dma_start3A_246 = tpu.memref_slice %arg4[%mul3A_0, %dma_start3A_245] : memref<1280x125xi32, #tpu.memory_space<hbm>> -> memref<80x125xi32, #tpu.memory_space<hbm>>
      %dma_start3A_247 = arith.constant 0 : i32
      %dma_start3A_248 = tpu.memref_slice %arg4[%mul3A_0, %dma_start3A_247] : memref<1280x125xi32, #tpu.memory_space<hbm>> -> memref<80x125xi32, #tpu.memory_space<hbm>>
      tpu.enqueue_dma source(%dma_start3A_248 : memref<80x125xi32, #tpu.memory_space<hbm>>) target(%arg15 : memref<80x125xi32, #tpu.memory_space<vmem>>) target_semaphore(%run_scoped3A : memref<!tpu.dma_semaphore, #tpu.memory_space<semaphore_mem>>)
      %dma_wait3A_249 = arith.constant 0 : i32
      %dma_wait3A_250 = tpu.memref_slice %arg4[%mul3A_0, %dma_wait3A_249] : memref<1280x125xi32, #tpu.memory_space<hbm>> -> memref<80x125xi32, #tpu.memory_space<hbm>>
      %dma_wait3A_251 = arith.constant 0 : i32
      %dma_wait3A_252 = tpu.memref_slice %arg4[%mul3A_0, %dma_wait3A_251] : memref<1280x125xi32, #tpu.memory_space<hbm>> -> memref<80x125xi32, #tpu.memory_space<hbm>>
      tpu.wait_dma2 semaphore(%run_scoped3A : memref<!tpu.dma_semaphore, #tpu.memory_space<semaphore_mem>>) src(%dma_wait3A_252 : memref<80x125xi32, #tpu.memory_space<hbm>>) dst(%arg15 : memref<80x125xi32, #tpu.memory_space<vmem>>)
      tpu.yield
    }) : () -> ()
    %add3A = arith.constant 0 : i32
    %add3A_1 = arith.addi %arg0, %add3A : i32
    %mul3A_2 = arith.constant 625 : i32
    %mul3A_3 = arith.muli %arg1, %mul3A_2 : i32
    %add3A_4 = arith.constant 0 : i32
    %add3A_5 = arith.addi %mul3A_3, %add3A_4 : i32
    "tpu.region"() ({
      %run_scoped3A = tpu.sem_alloc : memref<!tpu.dma_semaphore, #tpu.memory_space<semaphore_mem>>
      %dma_start3A_245 = arith.constant 0 : i32
      %dma_start3A_246 = tpu.memref_slice %arg10[%add3A_5, %dma_start3A_245] : memref<10000x64xf32, #tpu.memory_space<vmem_shared>> -> memref<125x64xf32, #tpu.memory_space<vmem_shared>>
      %dma_start3A_247 = arith.constant 0 : i32
      %dma_start3A_248 = tpu.memref_slice %arg10[%add3A_5, %dma_start3A_247] : memref<10000x64xf32, #tpu.memory_space<vmem_shared>> -> memref<125x64xf32, #tpu.memory_space<vmem_shared>>
      tpu.enqueue_dma source(%arg13 : memref<125x64xf32, #tpu.memory_space<vmem>>) target(%dma_start3A_248 : memref<125x64xf32, #tpu.memory_space<vmem_shared>>) target_semaphore(%run_scoped3A : memref<!tpu.dma_semaphore, #tpu.memory_space<semaphore_mem>>)
      %dma_wait3A_249 = arith.constant 0 : i32
      %dma_wait3A_250 = tpu.memref_slice %arg10[%add3A_5, %dma_wait3A_249] : memref<10000x64xf32, #tpu.memory_space<vmem_shared>> -> memref<125x64xf32, #tpu.memory_space<vmem_shared>>
      %dma_wait3A_251 = arith.constant 0 : i32
      %dma_wait3A_252 = tpu.memref_slice %arg10[%add3A_5, %dma_wait3A_251] : memref<10000x64xf32, #tpu.memory_space<vmem_shared>> -> memref<125x64xf32, #tpu.memory_space<vmem_shared>>
      tpu.wait_dma2 semaphore(%run_scoped3A : memref<!tpu.dma_semaphore, #tpu.memory_space<semaphore_mem>>) src(%arg13 : memref<125x64xf32, #tpu.memory_space<vmem>>) dst(%dma_wait3A_252 : memref<125x64xf32, #tpu.memory_space<vmem_shared>>)
      tpu.yield
    }) : () -> ()
    %mul3A_6 = arith.constant 625 : i32
    %mul3A_7 = arith.muli %arg1, %mul3A_6 : i32
    %add3A_8 = arith.constant 125 : i32
    %add3A_9 = arith.addi %mul3A_7, %add3A_8 : i32
    "tpu.region"() ({
      %run_scoped3A = tpu.sem_alloc : memref<!tpu.dma_semaphore, #tpu.memory_space<semaphore_mem>>
      %dma_start3A_245 = arith.constant 0 : i32
      %dma_start3A_246 = tpu.memref_slice %arg10[%add3A_9, %dma_start3A_245] : memref<10000x64xf32, #tpu.memory_space<vmem_shared>> -> memref<125x64xf32, #tpu.memory_space<vmem_shared>>
      %dma_start3A_247 = arith.constant 0 : i32
      %dma_start3A_248 = tpu.memref_slice %arg10[%add3A_9, %dma_start3A_247] : memref<10000x64xf32, #tpu.memory_space<vmem_shared>> -> memref<125x64xf32, #tpu.memory_space<vmem_shared>>
      tpu.enqueue_dma source(%arg13 : memref<125x64xf32, #tpu.memory_space<vmem>>) target(%dma_start3A_248 : memref<125x64xf32, #tpu.memory_space<vmem_shared>>) target_semaphore(%run_scoped3A : memref<!tpu.dma_semaphore, #tpu.memory_space<semaphore_mem>>)
      %dma_wait3A_249 = arith.constant 0 : i32
      %dma_wait3A_250 = tpu.memref_slice %arg10[%add3A_9, %dma_wait3A_249] : memref<10000x64xf32, #tpu.memory_space<vmem_shared>> -> memref<125x64xf32, #tpu.memory_space<vmem_shared>>
      %dma_wait3A_251 = arith.constant 0 : i32
      %dma_wait3A_252 = tpu.memref_slice %arg10[%add3A_9, %dma_wait3A_251] : memref<10000x64xf32, #tpu.memory_space<vmem_shared>> -> memref<125x64xf32, #tpu.memory_space<vmem_shared>>
      tpu.wait_dma2 semaphore(%run_scoped3A : memref<!tpu.dma_semaphore, #tpu.memory_space<semaphore_mem>>) src(%arg13 : memref<125x64xf32, #tpu.memory_space<vmem>>) dst(%dma_wait3A_252 : memref<125x64xf32, #tpu.memory_space<vmem_shared>>)
      tpu.yield
    }) : () -> ()
    %mul3A_10 = arith.constant 625 : i32
    %mul3A_11 = arith.muli %arg1, %mul3A_10 : i32
    %add3A_12 = arith.constant 250 : i32
    %add3A_13 = arith.addi %mul3A_11, %add3A_12 : i32
    "tpu.region"() ({
      %run_scoped3A = tpu.sem_alloc : memref<!tpu.dma_semaphore, #tpu.memory_space<semaphore_mem>>
      %dma_start3A_245 = arith.constant 0 : i32
      %dma_start3A_246 = tpu.memref_slice %arg10[%add3A_13, %dma_start3A_245] : memref<10000x64xf32, #tpu.memory_space<vmem_shared>> -> memref<125x64xf32, #tpu.memory_space<vmem_shared>>
      %dma_start3A_247 = arith.constant 0 : i32
      %dma_start3A_248 = tpu.memref_slice %arg10[%add3A_13, %dma_start3A_247] : memref<10000x64xf32, #tpu.memory_space<vmem_shared>> -> memref<125x64xf32, #tpu.memory_space<vmem_shared>>
      tpu.enqueue_dma source(%arg13 : memref<125x64xf32, #tpu.memory_space<vmem>>) target(%dma_start3A_248 : memref<125x64xf32, #tpu.memory_space<vmem_shared>>) target_semaphore(%run_scoped3A : memref<!tpu.dma_semaphore, #tpu.memory_space<semaphore_mem>>)
      %dma_wait3A_249 = arith.constant 0 : i32
      %dma_wait3A_250 = tpu.memref_slice %arg10[%add3A_13, %dma_wait3A_249] : memref<10000x64xf32, #tpu.memory_space<vmem_shared>> -> memref<125x64xf32, #tpu.memory_space<vmem_shared>>
      %dma_wait3A_251 = arith.constant 0 : i32
      %dma_wait3A_252 = tpu.memref_slice %arg10[%add3A_13, %dma_wait3A_251] : memref<10000x64xf32, #tpu.memory_space<vmem_shared>> -> memref<125x64xf32, #tpu.memory_space<vmem_shared>>
      tpu.wait_dma2 semaphore(%run_scoped3A : memref<!tpu.dma_semaphore, #tpu.memory_space<semaphore_mem>>) src(%arg13 : memref<125x64xf32, #tpu.memory_space<vmem>>) dst(%dma_wait3A_252 : memref<125x64xf32, #tpu.memory_space<vmem_shared>>)
      tpu.yield
    }) : () -> ()
    %mul3A_14 = arith.constant 625 : i32
    %mul3A_15 = arith.muli %arg1, %mul3A_14 : i32
    %add3A_16 = arith.constant 375 : i32
    %add3A_17 = arith.addi %mul3A_15, %add3A_16 : i32
    "tpu.region"() ({
      %run_scoped3A = tpu.sem_alloc : memref<!tpu.dma_semaphore, #tpu.memory_space<semaphore_mem>>
      %dma_start3A_245 = arith.constant 0 : i32
      %dma_start3A_246 = tpu.memref_slice %arg10[%add3A_17, %dma_start3A_245] : memref<10000x64xf32, #tpu.memory_space<vmem_shared>> -> memref<125x64xf32, #tpu.memory_space<vmem_shared>>
      %dma_start3A_247 = arith.constant 0 : i32
      %dma_start3A_248 = tpu.memref_slice %arg10[%add3A_17, %dma_start3A_247] : memref<10000x64xf32, #tpu.memory_space<vmem_shared>> -> memref<125x64xf32, #tpu.memory_space<vmem_shared>>
      tpu.enqueue_dma source(%arg13 : memref<125x64xf32, #tpu.memory_space<vmem>>) target(%dma_start3A_248 : memref<125x64xf32, #tpu.memory_space<vmem_shared>>) target_semaphore(%run_scoped3A : memref<!tpu.dma_semaphore, #tpu.memory_space<semaphore_mem>>)
      %dma_wait3A_249 = arith.constant 0 : i32
      %dma_wait3A_250 = tpu.memref_slice %arg10[%add3A_17, %dma_wait3A_249] : memref<10000x64xf32, #tpu.memory_space<vmem_shared>> -> memref<125x64xf32, #tpu.memory_space<vmem_shared>>
      %dma_wait3A_251 = arith.constant 0 : i32
      %dma_wait3A_252 = tpu.memref_slice %arg10[%add3A_17, %dma_wait3A_251] : memref<10000x64xf32, #tpu.memory_space<vmem_shared>> -> memref<125x64xf32, #tpu.memory_space<vmem_shared>>
      tpu.wait_dma2 semaphore(%run_scoped3A : memref<!tpu.dma_semaphore, #tpu.memory_space<semaphore_mem>>) src(%arg13 : memref<125x64xf32, #tpu.memory_space<vmem>>) dst(%dma_wait3A_252 : memref<125x64xf32, #tpu.memory_space<vmem_shared>>)
      tpu.yield
    }) : () -> ()
    %mul3A_18 = arith.constant 625 : i32
    %mul3A_19 = arith.muli %arg1, %mul3A_18 : i32
    %add3A_20 = arith.constant 500 : i32
    %add3A_21 = arith.addi %mul3A_19, %add3A_20 : i32
    "tpu.region"() ({
      %run_scoped3A = tpu.sem_alloc : memref<!tpu.dma_semaphore, #tpu.memory_space<semaphore_mem>>
      %dma_start3A_245 = arith.constant 0 : i32
      %dma_start3A_246 = tpu.memref_slice %arg10[%add3A_21, %dma_start3A_245] : memref<10000x64xf32, #tpu.memory_space<vmem_shared>> -> memref<125x64xf32, #tpu.memory_space<vmem_shared>>
      %dma_start3A_247 = arith.constant 0 : i32
      %dma_start3A_248 = tpu.memref_slice %arg10[%add3A_21, %dma_start3A_247] : memref<10000x64xf32, #tpu.memory_space<vmem_shared>> -> memref<125x64xf32, #tpu.memory_space<vmem_shared>>
      tpu.enqueue_dma source(%arg13 : memref<125x64xf32, #tpu.memory_space<vmem>>) target(%dma_start3A_248 : memref<125x64xf32, #tpu.memory_space<vmem_shared>>) target_semaphore(%run_scoped3A : memref<!tpu.dma_semaphore, #tpu.memory_space<semaphore_mem>>)
      %dma_wait3A_249 = arith.constant 0 : i32
      %dma_wait3A_250 = tpu.memref_slice %arg10[%add3A_21, %dma_wait3A_249] : memref<10000x64xf32, #tpu.memory_space<vmem_shared>> -> memref<125x64xf32, #tpu.memory_space<vmem_shared>>
      %dma_wait3A_251 = arith.constant 0 : i32
      %dma_wait3A_252 = tpu.memref_slice %arg10[%add3A_21, %dma_wait3A_251] : memref<10000x64xf32, #tpu.memory_space<vmem_shared>> -> memref<125x64xf32, #tpu.memory_space<vmem_shared>>
      tpu.wait_dma2 semaphore(%run_scoped3A : memref<!tpu.dma_semaphore, #tpu.memory_space<semaphore_mem>>) src(%arg13 : memref<125x64xf32, #tpu.memory_space<vmem>>) dst(%dma_wait3A_252 : memref<125x64xf32, #tpu.memory_space<vmem_shared>>)
      tpu.yield
    }) : () -> ()
    %mul3A_22 = arith.constant 625 : i32
    %mul3A_23 = arith.muli %arg1, %mul3A_22 : i32
    "tpu.region"() ({
      %run_scoped3A = tpu.sem_alloc : memref<!tpu.dma_semaphore, #tpu.memory_space<semaphore_mem>>
      %dma_start3A_245 = arith.constant 0 : i32
      %dma_start3A_246 = tpu.memref_slice %arg11[%mul3A_23, %dma_start3A_245] : memref<10000x8xf32, #tpu.memory_space<vmem_shared>> -> memref<625x8xf32, #tpu.memory_space<vmem_shared>>
      tpu.enqueue_dma source(%arg6 : memref<625x8xf32, #tpu.memory_space<hbm>>) target(%dma_start3A_246 : memref<625x8xf32, #tpu.memory_space<vmem_shared>>) target_semaphore(%run_scoped3A : memref<!tpu.dma_semaphore, #tpu.memory_space<semaphore_mem>>)
      %dma_wait3A_247 = arith.constant 0 : i32
      %dma_wait3A_248 = tpu.memref_slice %arg11[%mul3A_23, %dma_wait3A_247] : memref<10000x8xf32, #tpu.memory_space<vmem_shared>> -> memref<625x8xf32, #tpu.memory_space<vmem_shared>>
      tpu.wait_dma2 semaphore(%run_scoped3A : memref<!tpu.dma_semaphore, #tpu.memory_space<semaphore_mem>>) src(%arg6 : memref<625x8xf32, #tpu.memory_space<hbm>>) dst(%dma_wait3A_248 : memref<625x8xf32, #tpu.memory_space<vmem_shared>>)
      tpu.yield
    }) : () -> ()
    %mul3A_24 = arith.constant 1280 : i32
    %mul3A_25 = arith.muli %add3A_1, %mul3A_24 : i32
    %mul3A_26 = arith.constant 80 : i32
    %mul3A_27 = arith.muli %arg1, %mul3A_26 : i32
    %add3A_28 = arith.addi %mul3A_25, %mul3A_27 : i32
    "tpu.region"() ({
      %run_scoped3A = tpu.sem_alloc : memref<!tpu.dma_semaphore, #tpu.memory_space<semaphore_mem>>
      %dma_start3A_245 = arith.constant 0 : i32
      %dma_start3A_246 = tpu.memref_slice %arg3[%add3A_28, %dma_start3A_245] : memref<5120x125xi32, #tpu.memory_space<hbm>> -> memref<80x125xi32, #tpu.memory_space<hbm>>
      %dma_start3A_247 = arith.constant 0 : i32
      %dma_start3A_248 = tpu.memref_slice %arg3[%add3A_28, %dma_start3A_247] : memref<5120x125xi32, #tpu.memory_space<hbm>> -> memref<80x125xi32, #tpu.memory_space<hbm>>
      tpu.enqueue_dma source(%dma_start3A_248 : memref<80x125xi32, #tpu.memory_space<hbm>>) target(%arg14 : memref<80x125xi32, #tpu.memory_space<vmem>>) target_semaphore(%run_scoped3A : memref<!tpu.dma_semaphore, #tpu.memory_space<semaphore_mem>>)
      %dma_wait3A_249 = arith.constant 0 : i32
      %dma_wait3A_250 = tpu.memref_slice %arg3[%add3A_28, %dma_wait3A_249] : memref<5120x125xi32, #tpu.memory_space<hbm>> -> memref<80x125xi32, #tpu.memory_space<hbm>>
      %dma_wait3A_251 = arith.constant 0 : i32
      %dma_wait3A_252 = tpu.memref_slice %arg3[%add3A_28, %dma_wait3A_251] : memref<5120x125xi32, #tpu.memory_space<hbm>> -> memref<80x125xi32, #tpu.memory_space<hbm>>
      tpu.wait_dma2 semaphore(%run_scoped3A : memref<!tpu.dma_semaphore, #tpu.memory_space<semaphore_mem>>) src(%dma_wait3A_252 : memref<80x125xi32, #tpu.memory_space<hbm>>) dst(%arg14 : memref<80x125xi32, #tpu.memory_space<vmem>>)
      tpu.yield
    }) : () -> ()
    %barrier3A = arith.constant 0 : index
    tpu.barrier barrier_id(%barrier3A)
    %dma_start3A = arith.constant 0 : i32
    %dma_start3A_29 = arith.constant 0 : i32
    %dma_start3A_30 = tpu.memref_slice %arg14[%dma_start3A, %dma_start3A_29] : memref<80x125xi32, #tpu.memory_space<vmem>> -> memref<1x125xi32, #tpu.memory_space<vmem>>
    %dma_start3A_31 = tpu.memref_squeeze %dma_start3A_30 : memref<1x125xi32, #tpu.memory_space<vmem>> -> memref<125xi32, #tpu.memory_space<vmem>>
    %dma_start3A_32 = arith.constant 0 : i32
    %dma_start3A_33 = arith.constant 0 : i32
    %dma_start3A_34 = tpu.memref_slice %arg2[%dma_start3A_32, %dma_start3A_33] : memref<40000x64xf32, #tpu.memory_space<hbm>> -> memref<40000x64xf32, #tpu.memory_space<hbm>>
    tpu.enqueue_indirect_dma source(%dma_start3A_34 : memref<40000x64xf32, #tpu.memory_space<hbm>>) target(%arg16 : memref<125x64xf32, #tpu.memory_space<vmem>>) offsets(%dma_start3A_31 : memref<125xi32, #tpu.memory_space<vmem>>) semaphore(%arg21 : memref<!tpu.dma_semaphore, #tpu.memory_space<semaphore_mem>>)
    %dma_start3A_35 = arith.constant 1 : i32
    %dma_start3A_36 = arith.constant 0 : i32
    %dma_start3A_37 = tpu.memref_slice %arg14[%dma_start3A_35, %dma_start3A_36] : memref<80x125xi32, #tpu.memory_space<vmem>> -> memref<1x125xi32, #tpu.memory_space<vmem>>
    %dma_start3A_38 = tpu.memref_squeeze %dma_start3A_37 : memref<1x125xi32, #tpu.memory_space<vmem>> -> memref<125xi32, #tpu.memory_space<vmem>>
    %dma_start3A_39 = arith.constant 0 : i32
    %dma_start3A_40 = arith.constant 0 : i32
    %dma_start3A_41 = tpu.memref_slice %arg2[%dma_start3A_39, %dma_start3A_40] : memref<40000x64xf32, #tpu.memory_space<hbm>> -> memref<40000x64xf32, #tpu.memory_space<hbm>>
    tpu.enqueue_indirect_dma source(%dma_start3A_41 : memref<40000x64xf32, #tpu.memory_space<hbm>>) target(%arg17 : memref<125x64xf32, #tpu.memory_space<vmem>>) offsets(%dma_start3A_38 : memref<125xi32, #tpu.memory_space<vmem>>) semaphore(%arg22 : memref<!tpu.dma_semaphore, #tpu.memory_space<semaphore_mem>>)
    %dma_start3A_42 = arith.constant 2 : i32
    %dma_start3A_43 = arith.constant 0 : i32
    %dma_start3A_44 = tpu.memref_slice %arg14[%dma_start3A_42, %dma_start3A_43] : memref<80x125xi32, #tpu.memory_space<vmem>> -> memref<1x125xi32, #tpu.memory_space<vmem>>
    %dma_start3A_45 = tpu.memref_squeeze %dma_start3A_44 : memref<1x125xi32, #tpu.memory_space<vmem>> -> memref<125xi32, #tpu.memory_space<vmem>>
    %dma_start3A_46 = arith.constant 0 : i32
    %dma_start3A_47 = arith.constant 0 : i32
    %dma_start3A_48 = tpu.memref_slice %arg2[%dma_start3A_46, %dma_start3A_47] : memref<40000x64xf32, #tpu.memory_space<hbm>> -> memref<40000x64xf32, #tpu.memory_space<hbm>>
    tpu.enqueue_indirect_dma source(%dma_start3A_48 : memref<40000x64xf32, #tpu.memory_space<hbm>>) target(%arg18 : memref<125x64xf32, #tpu.memory_space<vmem>>) offsets(%dma_start3A_45 : memref<125xi32, #tpu.memory_space<vmem>>) semaphore(%arg23 : memref<!tpu.dma_semaphore, #tpu.memory_space<semaphore_mem>>)
    %dma_start3A_49 = arith.constant 3 : i32
    %dma_start3A_50 = arith.constant 0 : i32
    %dma_start3A_51 = tpu.memref_slice %arg14[%dma_start3A_49, %dma_start3A_50] : memref<80x125xi32, #tpu.memory_space<vmem>> -> memref<1x125xi32, #tpu.memory_space<vmem>>
    %dma_start3A_52 = tpu.memref_squeeze %dma_start3A_51 : memref<1x125xi32, #tpu.memory_space<vmem>> -> memref<125xi32, #tpu.memory_space<vmem>>
    %dma_start3A_53 = arith.constant 0 : i32
    %dma_start3A_54 = arith.constant 0 : i32
    %dma_start3A_55 = tpu.memref_slice %arg2[%dma_start3A_53, %dma_start3A_54] : memref<40000x64xf32, #tpu.memory_space<hbm>> -> memref<40000x64xf32, #tpu.memory_space<hbm>>
    tpu.enqueue_indirect_dma source(%dma_start3A_55 : memref<40000x64xf32, #tpu.memory_space<hbm>>) target(%arg19 : memref<125x64xf32, #tpu.memory_space<vmem>>) offsets(%dma_start3A_52 : memref<125xi32, #tpu.memory_space<vmem>>) semaphore(%arg24 : memref<!tpu.dma_semaphore, #tpu.memory_space<semaphore_mem>>)
    %scan3A = arith.constant 0 : i32
    %scan3A_56 = arith.constant 0 : i32
    %scan3A_57 = arith.constant 16 : i32
    %scan3A_58 = arith.addi %scan3A_56, %scan3A_57 : i32
    %scan3A_59 = arith.constant 1 : i32
    scf.for %scan3A_245 = %scan3A_56 to %scan3A_58 step %scan3A_59  : i32 {
      %mul3A_246 = arith.constant 5 : i32
      %mul3A_247 = arith.muli %scan3A_245, %mul3A_246 : i32
      %add3A_248 = arith.constant 0 : i32
      %add3A_249 = arith.addi %mul3A_247, %add3A_248 : i32
      %dma_wait3A_250 = arith.constant 0 : i32
      %dma_wait3A_251 = tpu.memref_slice %arg14[%add3A_249, %dma_wait3A_250] : memref<80x125xi32, #tpu.memory_space<vmem>> -> memref<1x125xi32, #tpu.memory_space<vmem>>
      %dma_wait3A_252 = tpu.memref_squeeze %dma_wait3A_251 : memref<1x125xi32, #tpu.memory_space<vmem>> -> memref<125xi32, #tpu.memory_space<vmem>>
      %dma_wait3A_253 = arith.constant 0 : i32
      %dma_wait3A_254 = arith.constant 0 : i32
      %dma_wait3A_255 = tpu.memref_slice %arg2[%dma_wait3A_253, %dma_wait3A_254] : memref<40000x64xf32, #tpu.memory_space<hbm>> -> memref<40000x64xf32, #tpu.memory_space<hbm>>
      tpu.wait_indirect_dma semaphore(%arg21 : memref<!tpu.dma_semaphore, #tpu.memory_space<semaphore_mem>>) src(%dma_wait3A_255 : memref<40000x64xf32, #tpu.memory_space<hbm>>) dst(%arg16 : memref<125x64xf32, #tpu.memory_space<vmem>>)
      %dma_start3A_256 = arith.constant 0 : i32
      %dma_start3A_257 = tpu.memref_slice %arg15[%add3A_249, %dma_start3A_256] : memref<80x125xi32, #tpu.memory_space<vmem>> -> memref<1x125xi32, #tpu.memory_space<vmem>>
      %dma_start3A_258 = tpu.memref_squeeze %dma_start3A_257 : memref<1x125xi32, #tpu.memory_space<vmem>> -> memref<125xi32, #tpu.memory_space<vmem>>
      %dma_start3A_259 = arith.constant 0 : i32
      %dma_start3A_260 = arith.constant 0 : i32
      %dma_start3A_261 = tpu.memref_slice %arg10[%dma_start3A_259, %dma_start3A_260] : memref<10000x64xf32, #tpu.memory_space<vmem_shared>> -> memref<10000x64xf32, #tpu.memory_space<vmem_shared>>
      tpu.enqueue_indirect_dma source(%arg16 : memref<125x64xf32, #tpu.memory_space<vmem>>) target(%dma_start3A_261 : memref<10000x64xf32, #tpu.memory_space<vmem_shared>>) offsets(%dma_start3A_258 : memref<125xi32, #tpu.memory_space<vmem>>) semaphore(%arg26 : memref<!tpu.dma_semaphore, #tpu.memory_space<semaphore_mem>>) {add = true}
      %dma_start3A_262 = arith.constant 0 : i32
      %dma_start3A_263 = tpu.memref_slice %arg15[%add3A_249, %dma_start3A_262] : memref<80x125xi32, #tpu.memory_space<vmem>> -> memref<1x125xi32, #tpu.memory_space<vmem>>
      %dma_start3A_264 = tpu.memref_squeeze %dma_start3A_263 : memref<1x125xi32, #tpu.memory_space<vmem>> -> memref<125xi32, #tpu.memory_space<vmem>>
      %dma_start3A_265 = arith.constant 0 : i32
      %dma_start3A_266 = arith.constant 0 : i32
      %dma_start3A_267 = tpu.memref_slice %arg11[%dma_start3A_265, %dma_start3A_266] : memref<10000x8xf32, #tpu.memory_space<vmem_shared>> -> memref<10000x8xf32, #tpu.memory_space<vmem_shared>>
      tpu.enqueue_indirect_dma source(%arg12 : memref<125x8xf32, #tpu.memory_space<vmem>>) target(%dma_start3A_267 : memref<10000x8xf32, #tpu.memory_space<vmem_shared>>) offsets(%dma_start3A_264 : memref<125xi32, #tpu.memory_space<vmem>>) semaphore(%arg31 : memref<!tpu.dma_semaphore, #tpu.memory_space<semaphore_mem>>) {add = true}
      %add3A_268 = arith.constant 5 : i32
      %add3A_269 = arith.addi %add3A_249, %add3A_268 : i32
      %sub3A = arith.constant 1 : i32
      %sub3A_270 = arith.subi %add3A_269, %sub3A : i32
      %lt3A = arith.constant 80 : i32
      %lt3A_271 = arith.cmpi slt, %sub3A_270, %lt3A : i32
      %ge3A = arith.constant 1 : i32
      %ge3A_272 = arith.cmpi sge, %add3A_249, %ge3A : i32
      %and3A = arith.andi %lt3A_271, %ge3A_272 : i1
      %convert_element_type3A_273 = arith.extui %and3A : i1 to i32
      %cond3A_274 = arith.constant 0 : i32
      %cond3A_275 = arith.cmpi ne, %convert_element_type3A_273, %cond3A_274 : i32
      scf.if %cond3A_275 {
        %sub3A_405 = arith.constant 1 : i32
        %sub3A_406 = arith.subi %add3A_249, %sub3A_405 : i32
        %dma_wait3A_407 = arith.constant 0 : i32
        %dma_wait3A_408 = tpu.memref_slice %arg15[%sub3A_406, %dma_wait3A_407] : memref<80x125xi32, #tpu.memory_space<vmem>> -> memref<1x125xi32, #tpu.memory_space<vmem>>
        %dma_wait3A_409 = tpu.memref_squeeze %dma_wait3A_408 : memref<1x125xi32, #tpu.memory_space<vmem>> -> memref<125xi32, #tpu.memory_space<vmem>>
        %dma_wait3A_410 = arith.constant 0 : i32
        %dma_wait3A_411 = arith.constant 0 : i32
        %dma_wait3A_412 = tpu.memref_slice %arg10[%dma_wait3A_410, %dma_wait3A_411] : memref<10000x64xf32, #tpu.memory_space<vmem_shared>> -> memref<10000x64xf32, #tpu.memory_space<vmem_shared>>
        tpu.wait_indirect_dma semaphore(%arg30 : memref<!tpu.dma_semaphore, #tpu.memory_space<semaphore_mem>>) src(%arg20 : memref<125x64xf32, #tpu.memory_space<vmem>>) dst(%dma_wait3A_412 : memref<10000x64xf32, #tpu.memory_space<vmem_shared>>)
        %sub3A_413 = arith.constant 1 : i32
        %sub3A_414 = arith.subi %add3A_249, %sub3A_413 : i32
        %dma_wait3A_415 = arith.constant 0 : i32
        %dma_wait3A_416 = tpu.memref_slice %arg15[%sub3A_414, %dma_wait3A_415] : memref<80x125xi32, #tpu.memory_space<vmem>> -> memref<1x125xi32, #tpu.memory_space<vmem>>
        %dma_wait3A_417 = tpu.memref_squeeze %dma_wait3A_416 : memref<1x125xi32, #tpu.memory_space<vmem>> -> memref<125xi32, #tpu.memory_space<vmem>>
        %dma_wait3A_418 = arith.constant 0 : i32
        %dma_wait3A_419 = arith.constant 0 : i32
        %dma_wait3A_420 = tpu.memref_slice %arg11[%dma_wait3A_418, %dma_wait3A_419] : memref<10000x8xf32, #tpu.memory_space<vmem_shared>> -> memref<10000x8xf32, #tpu.memory_space<vmem_shared>>
        tpu.wait_indirect_dma semaphore(%arg35 : memref<!tpu.dma_semaphore, #tpu.memory_space<semaphore_mem>>) src(%arg12 : memref<125x8xf32, #tpu.memory_space<vmem>>) dst(%dma_wait3A_420 : memref<10000x8xf32, #tpu.memory_space<vmem_shared>>)
        %dma_start3A_421 = arith.constant 0 : i32
        %dma_start3A_422 = tpu.memref_slice %arg14[%sub3A_270, %dma_start3A_421] : memref<80x125xi32, #tpu.memory_space<vmem>> -> memref<1x125xi32, #tpu.memory_space<vmem>>
        %dma_start3A_423 = tpu.memref_squeeze %dma_start3A_422 : memref<1x125xi32, #tpu.memory_space<vmem>> -> memref<125xi32, #tpu.memory_space<vmem>>
        %dma_start3A_424 = arith.constant 0 : i32
        %dma_start3A_425 = arith.constant 0 : i32
        %dma_start3A_426 = tpu.memref_slice %arg2[%dma_start3A_424, %dma_start3A_425] : memref<40000x64xf32, #tpu.memory_space<hbm>> -> memref<40000x64xf32, #tpu.memory_space<hbm>>
        tpu.enqueue_indirect_dma source(%dma_start3A_426 : memref<40000x64xf32, #tpu.memory_space<hbm>>) target(%arg20 : memref<125x64xf32, #tpu.memory_space<vmem>>) offsets(%dma_start3A_423 : memref<125xi32, #tpu.memory_space<vmem>>) semaphore(%arg25 : memref<!tpu.dma_semaphore, #tpu.memory_space<semaphore_mem>>)
      } else {
      }
      %eq3A_276 = arith.constant 0 : i32
      %eq3A_277 = arith.cmpi eq, %add3A_249, %eq3A_276 : i32
      %convert_element_type3A_278 = arith.extui %eq3A_277 : i1 to i32
      %cond3A_279 = arith.constant 0 : i32
      %cond3A_280 = arith.cmpi ne, %convert_element_type3A_278, %cond3A_279 : i32
      scf.if %cond3A_280 {
        %dma_start3A_405 = arith.constant 0 : i32
        %dma_start3A_406 = tpu.memref_slice %arg14[%sub3A_270, %dma_start3A_405] : memref<80x125xi32, #tpu.memory_space<vmem>> -> memref<1x125xi32, #tpu.memory_space<vmem>>
        %dma_start3A_407 = tpu.memref_squeeze %dma_start3A_406 : memref<1x125xi32, #tpu.memory_space<vmem>> -> memref<125xi32, #tpu.memory_space<vmem>>
        %dma_start3A_408 = arith.constant 0 : i32
        %dma_start3A_409 = arith.constant 0 : i32
        %dma_start3A_410 = tpu.memref_slice %arg2[%dma_start3A_408, %dma_start3A_409] : memref<40000x64xf32, #tpu.memory_space<hbm>> -> memref<40000x64xf32, #tpu.memory_space<hbm>>
        tpu.enqueue_indirect_dma source(%dma_start3A_410 : memref<40000x64xf32, #tpu.memory_space<hbm>>) target(%arg20 : memref<125x64xf32, #tpu.memory_space<vmem>>) offsets(%dma_start3A_407 : memref<125xi32, #tpu.memory_space<vmem>>) semaphore(%arg25 : memref<!tpu.dma_semaphore, #tpu.memory_space<semaphore_mem>>)
      } else {
      }
      %mul3A_281 = arith.constant 5 : i32
      %mul3A_282 = arith.muli %scan3A_245, %mul3A_281 : i32
      %add3A_283 = arith.constant 1 : i32
      %add3A_284 = arith.addi %mul3A_282, %add3A_283 : i32
      %dma_wait3A_285 = arith.constant 0 : i32
      %dma_wait3A_286 = tpu.memref_slice %arg14[%add3A_284, %dma_wait3A_285] : memref<80x125xi32, #tpu.memory_space<vmem>> -> memref<1x125xi32, #tpu.memory_space<vmem>>
      %dma_wait3A_287 = tpu.memref_squeeze %dma_wait3A_286 : memref<1x125xi32, #tpu.memory_space<vmem>> -> memref<125xi32, #tpu.memory_space<vmem>>
      %dma_wait3A_288 = arith.constant 0 : i32
      %dma_wait3A_289 = arith.constant 0 : i32
      %dma_wait3A_290 = tpu.memref_slice %arg2[%dma_wait3A_288, %dma_wait3A_289] : memref<40000x64xf32, #tpu.memory_space<hbm>> -> memref<40000x64xf32, #tpu.memory_space<hbm>>
      tpu.wait_indirect_dma semaphore(%arg22 : memref<!tpu.dma_semaphore, #tpu.memory_space<semaphore_mem>>) src(%dma_wait3A_290 : memref<40000x64xf32, #tpu.memory_space<hbm>>) dst(%arg17 : memref<125x64xf32, #tpu.memory_space<vmem>>)
      %dma_start3A_291 = arith.constant 0 : i32
      %dma_start3A_292 = tpu.memref_slice %arg15[%add3A_284, %dma_start3A_291] : memref<80x125xi32, #tpu.memory_space<vmem>> -> memref<1x125xi32, #tpu.memory_space<vmem>>
      %dma_start3A_293 = tpu.memref_squeeze %dma_start3A_292 : memref<1x125xi32, #tpu.memory_space<vmem>> -> memref<125xi32, #tpu.memory_space<vmem>>
      %dma_start3A_294 = arith.constant 0 : i32
      %dma_start3A_295 = arith.constant 0 : i32
      %dma_start3A_296 = tpu.memref_slice %arg10[%dma_start3A_294, %dma_start3A_295] : memref<10000x64xf32, #tpu.memory_space<vmem_shared>> -> memref<10000x64xf32, #tpu.memory_space<vmem_shared>>
      tpu.enqueue_indirect_dma source(%arg17 : memref<125x64xf32, #tpu.memory_space<vmem>>) target(%dma_start3A_296 : memref<10000x64xf32, #tpu.memory_space<vmem_shared>>) offsets(%dma_start3A_293 : memref<125xi32, #tpu.memory_space<vmem>>) semaphore(%arg27 : memref<!tpu.dma_semaphore, #tpu.memory_space<semaphore_mem>>) {add = true}
      %dma_start3A_297 = arith.constant 0 : i32
      %dma_start3A_298 = tpu.memref_slice %arg15[%add3A_284, %dma_start3A_297] : memref<80x125xi32, #tpu.memory_space<vmem>> -> memref<1x125xi32, #tpu.memory_space<vmem>>
      %dma_start3A_299 = tpu.memref_squeeze %dma_start3A_298 : memref<1x125xi32, #tpu.memory_space<vmem>> -> memref<125xi32, #tpu.memory_space<vmem>>
      %dma_start3A_300 = arith.constant 0 : i32
      %dma_start3A_301 = arith.constant 0 : i32
      %dma_start3A_302 = tpu.memref_slice %arg11[%dma_start3A_300, %dma_start3A_301] : memref<10000x8xf32, #tpu.memory_space<vmem_shared>> -> memref<10000x8xf32, #tpu.memory_space<vmem_shared>>
      tpu.enqueue_indirect_dma source(%arg12 : memref<125x8xf32, #tpu.memory_space<vmem>>) target(%dma_start3A_302 : memref<10000x8xf32, #tpu.memory_space<vmem_shared>>) offsets(%dma_start3A_299 : memref<125xi32, #tpu.memory_space<vmem>>) semaphore(%arg32 : memref<!tpu.dma_semaphore, #tpu.memory_space<semaphore_mem>>) {add = true}
      %add3A_303 = arith.constant 5 : i32
      %add3A_304 = arith.addi %add3A_284, %add3A_303 : i32
      %sub3A_305 = arith.constant 1 : i32
      %sub3A_306 = arith.subi %add3A_304, %sub3A_305 : i32
      %lt3A_307 = arith.constant 80 : i32
      %lt3A_308 = arith.cmpi slt, %sub3A_306, %lt3A_307 : i32
      %convert_element_type3A_309 = arith.extui %lt3A_308 : i1 to i32
      %cond3A_310 = arith.constant 0 : i32
      %cond3A_311 = arith.cmpi ne, %convert_element_type3A_309, %cond3A_310 : i32
      scf.if %cond3A_311 {
        %sub3A_405 = arith.constant 1 : i32
        %sub3A_406 = arith.subi %add3A_284, %sub3A_405 : i32
        %dma_wait3A_407 = arith.constant 0 : i32
        %dma_wait3A_408 = tpu.memref_slice %arg15[%sub3A_406, %dma_wait3A_407] : memref<80x125xi32, #tpu.memory_space<vmem>> -> memref<1x125xi32, #tpu.memory_space<vmem>>
        %dma_wait3A_409 = tpu.memref_squeeze %dma_wait3A_408 : memref<1x125xi32, #tpu.memory_space<vmem>> -> memref<125xi32, #tpu.memory_space<vmem>>
        %dma_wait3A_410 = arith.constant 0 : i32
        %dma_wait3A_411 = arith.constant 0 : i32
        %dma_wait3A_412 = tpu.memref_slice %arg10[%dma_wait3A_410, %dma_wait3A_411] : memref<10000x64xf32, #tpu.memory_space<vmem_shared>> -> memref<10000x64xf32, #tpu.memory_space<vmem_shared>>
        tpu.wait_indirect_dma semaphore(%arg26 : memref<!tpu.dma_semaphore, #tpu.memory_space<semaphore_mem>>) src(%arg16 : memref<125x64xf32, #tpu.memory_space<vmem>>) dst(%dma_wait3A_412 : memref<10000x64xf32, #tpu.memory_space<vmem_shared>>)
        %sub3A_413 = arith.constant 1 : i32
        %sub3A_414 = arith.subi %add3A_284, %sub3A_413 : i32
        %dma_wait3A_415 = arith.constant 0 : i32
        %dma_wait3A_416 = tpu.memref_slice %arg15[%sub3A_414, %dma_wait3A_415] : memref<80x125xi32, #tpu.memory_space<vmem>> -> memref<1x125xi32, #tpu.memory_space<vmem>>
        %dma_wait3A_417 = tpu.memref_squeeze %dma_wait3A_416 : memref<1x125xi32, #tpu.memory_space<vmem>> -> memref<125xi32, #tpu.memory_space<vmem>>
        %dma_wait3A_418 = arith.constant 0 : i32
        %dma_wait3A_419 = arith.constant 0 : i32
        %dma_wait3A_420 = tpu.memref_slice %arg11[%dma_wait3A_418, %dma_wait3A_419] : memref<10000x8xf32, #tpu.memory_space<vmem_shared>> -> memref<10000x8xf32, #tpu.memory_space<vmem_shared>>
        tpu.wait_indirect_dma semaphore(%arg31 : memref<!tpu.dma_semaphore, #tpu.memory_space<semaphore_mem>>) src(%arg12 : memref<125x8xf32, #tpu.memory_space<vmem>>) dst(%dma_wait3A_420 : memref<10000x8xf32, #tpu.memory_space<vmem_shared>>)
        %dma_start3A_421 = arith.constant 0 : i32
        %dma_start3A_422 = tpu.memref_slice %arg14[%sub3A_306, %dma_start3A_421] : memref<80x125xi32, #tpu.memory_space<vmem>> -> memref<1x125xi32, #tpu.memory_space<vmem>>
        %dma_start3A_423 = tpu.memref_squeeze %dma_start3A_422 : memref<1x125xi32, #tpu.memory_space<vmem>> -> memref<125xi32, #tpu.memory_space<vmem>>
        %dma_start3A_424 = arith.constant 0 : i32
        %dma_start3A_425 = arith.constant 0 : i32
        %dma_start3A_426 = tpu.memref_slice %arg2[%dma_start3A_424, %dma_start3A_425] : memref<40000x64xf32, #tpu.memory_space<hbm>> -> memref<40000x64xf32, #tpu.memory_space<hbm>>
        tpu.enqueue_indirect_dma source(%dma_start3A_426 : memref<40000x64xf32, #tpu.memory_space<hbm>>) target(%arg16 : memref<125x64xf32, #tpu.memory_space<vmem>>) offsets(%dma_start3A_423 : memref<125xi32, #tpu.memory_space<vmem>>) semaphore(%arg21 : memref<!tpu.dma_semaphore, #tpu.memory_space<semaphore_mem>>)
      } else {
      }
      %mul3A_312 = arith.constant 5 : i32
      %mul3A_313 = arith.muli %scan3A_245, %mul3A_312 : i32
      %add3A_314 = arith.constant 2 : i32
      %add3A_315 = arith.addi %mul3A_313, %add3A_314 : i32
      %dma_wait3A_316 = arith.constant 0 : i32
      %dma_wait3A_317 = tpu.memref_slice %arg14[%add3A_315, %dma_wait3A_316] : memref<80x125xi32, #tpu.memory_space<vmem>> -> memref<1x125xi32, #tpu.memory_space<vmem>>
      %dma_wait3A_318 = tpu.memref_squeeze %dma_wait3A_317 : memref<1x125xi32, #tpu.memory_space<vmem>> -> memref<125xi32, #tpu.memory_space<vmem>>
      %dma_wait3A_319 = arith.constant 0 : i32
      %dma_wait3A_320 = arith.constant 0 : i32
      %dma_wait3A_321 = tpu.memref_slice %arg2[%dma_wait3A_319, %dma_wait3A_320] : memref<40000x64xf32, #tpu.memory_space<hbm>> -> memref<40000x64xf32, #tpu.memory_space<hbm>>
      tpu.wait_indirect_dma semaphore(%arg23 : memref<!tpu.dma_semaphore, #tpu.memory_space<semaphore_mem>>) src(%dma_wait3A_321 : memref<40000x64xf32, #tpu.memory_space<hbm>>) dst(%arg18 : memref<125x64xf32, #tpu.memory_space<vmem>>)
      %dma_start3A_322 = arith.constant 0 : i32
      %dma_start3A_323 = tpu.memref_slice %arg15[%add3A_315, %dma_start3A_322] : memref<80x125xi32, #tpu.memory_space<vmem>> -> memref<1x125xi32, #tpu.memory_space<vmem>>
      %dma_start3A_324 = tpu.memref_squeeze %dma_start3A_323 : memref<1x125xi32, #tpu.memory_space<vmem>> -> memref<125xi32, #tpu.memory_space<vmem>>
      %dma_start3A_325 = arith.constant 0 : i32
      %dma_start3A_326 = arith.constant 0 : i32
      %dma_start3A_327 = tpu.memref_slice %arg10[%dma_start3A_325, %dma_start3A_326] : memref<10000x64xf32, #tpu.memory_space<vmem_shared>> -> memref<10000x64xf32, #tpu.memory_space<vmem_shared>>
      tpu.enqueue_indirect_dma source(%arg18 : memref<125x64xf32, #tpu.memory_space<vmem>>) target(%dma_start3A_327 : memref<10000x64xf32, #tpu.memory_space<vmem_shared>>) offsets(%dma_start3A_324 : memref<125xi32, #tpu.memory_space<vmem>>) semaphore(%arg28 : memref<!tpu.dma_semaphore, #tpu.memory_space<semaphore_mem>>) {add = true}
      %dma_start3A_328 = arith.constant 0 : i32
      %dma_start3A_329 = tpu.memref_slice %arg15[%add3A_315, %dma_start3A_328] : memref<80x125xi32, #tpu.memory_space<vmem>> -> memref<1x125xi32, #tpu.memory_space<vmem>>
      %dma_start3A_330 = tpu.memref_squeeze %dma_start3A_329 : memref<1x125xi32, #tpu.memory_space<vmem>> -> memref<125xi32, #tpu.memory_space<vmem>>
      %dma_start3A_331 = arith.constant 0 : i32
      %dma_start3A_332 = arith.constant 0 : i32
      %dma_start3A_333 = tpu.memref_slice %arg11[%dma_start3A_331, %dma_start3A_332] : memref<10000x8xf32, #tpu.memory_space<vmem_shared>> -> memref<10000x8xf32, #tpu.memory_space<vmem_shared>>
      tpu.enqueue_indirect_dma source(%arg12 : memref<125x8xf32, #tpu.memory_space<vmem>>) target(%dma_start3A_333 : memref<10000x8xf32, #tpu.memory_space<vmem_shared>>) offsets(%dma_start3A_330 : memref<125xi32, #tpu.memory_space<vmem>>) semaphore(%arg33 : memref<!tpu.dma_semaphore, #tpu.memory_space<semaphore_mem>>) {add = true}
      %add3A_334 = arith.constant 5 : i32
      %add3A_335 = arith.addi %add3A_315, %add3A_334 : i32
      %sub3A_336 = arith.constant 1 : i32
      %sub3A_337 = arith.subi %add3A_335, %sub3A_336 : i32
      %lt3A_338 = arith.constant 80 : i32
      %lt3A_339 = arith.cmpi slt, %sub3A_337, %lt3A_338 : i32
      %convert_element_type3A_340 = arith.extui %lt3A_339 : i1 to i32
      %cond3A_341 = arith.constant 0 : i32
      %cond3A_342 = arith.cmpi ne, %convert_element_type3A_340, %cond3A_341 : i32
      scf.if %cond3A_342 {
        %sub3A_405 = arith.constant 1 : i32
        %sub3A_406 = arith.subi %add3A_315, %sub3A_405 : i32
        %dma_wait3A_407 = arith.constant 0 : i32
        %dma_wait3A_408 = tpu.memref_slice %arg15[%sub3A_406, %dma_wait3A_407] : memref<80x125xi32, #tpu.memory_space<vmem>> -> memref<1x125xi32, #tpu.memory_space<vmem>>
        %dma_wait3A_409 = tpu.memref_squeeze %dma_wait3A_408 : memref<1x125xi32, #tpu.memory_space<vmem>> -> memref<125xi32, #tpu.memory_space<vmem>>
        %dma_wait3A_410 = arith.constant 0 : i32
        %dma_wait3A_411 = arith.constant 0 : i32
        %dma_wait3A_412 = tpu.memref_slice %arg10[%dma_wait3A_410, %dma_wait3A_411] : memref<10000x64xf32, #tpu.memory_space<vmem_shared>> -> memref<10000x64xf32, #tpu.memory_space<vmem_shared>>
        tpu.wait_indirect_dma semaphore(%arg27 : memref<!tpu.dma_semaphore, #tpu.memory_space<semaphore_mem>>) src(%arg17 : memref<125x64xf32, #tpu.memory_space<vmem>>) dst(%dma_wait3A_412 : memref<10000x64xf32, #tpu.memory_space<vmem_shared>>)
        %sub3A_413 = arith.constant 1 : i32
        %sub3A_414 = arith.subi %add3A_315, %sub3A_413 : i32
        %dma_wait3A_415 = arith.constant 0 : i32
        %dma_wait3A_416 = tpu.memref_slice %arg15[%sub3A_414, %dma_wait3A_415] : memref<80x125xi32, #tpu.memory_space<vmem>> -> memref<1x125xi32, #tpu.memory_space<vmem>>
        %dma_wait3A_417 = tpu.memref_squeeze %dma_wait3A_416 : memref<1x125xi32, #tpu.memory_space<vmem>> -> memref<125xi32, #tpu.memory_space<vmem>>
        %dma_wait3A_418 = arith.constant 0 : i32
        %dma_wait3A_419 = arith.constant 0 : i32
        %dma_wait3A_420 = tpu.memref_slice %arg11[%dma_wait3A_418, %dma_wait3A_419] : memref<10000x8xf32, #tpu.memory_space<vmem_shared>> -> memref<10000x8xf32, #tpu.memory_space<vmem_shared>>
        tpu.wait_indirect_dma semaphore(%arg32 : memref<!tpu.dma_semaphore, #tpu.memory_space<semaphore_mem>>) src(%arg12 : memref<125x8xf32, #tpu.memory_space<vmem>>) dst(%dma_wait3A_420 : memref<10000x8xf32, #tpu.memory_space<vmem_shared>>)
        %dma_start3A_421 = arith.constant 0 : i32
        %dma_start3A_422 = tpu.memref_slice %arg14[%sub3A_337, %dma_start3A_421] : memref<80x125xi32, #tpu.memory_space<vmem>> -> memref<1x125xi32, #tpu.memory_space<vmem>>
        %dma_start3A_423 = tpu.memref_squeeze %dma_start3A_422 : memref<1x125xi32, #tpu.memory_space<vmem>> -> memref<125xi32, #tpu.memory_space<vmem>>
        %dma_start3A_424 = arith.constant 0 : i32
        %dma_start3A_425 = arith.constant 0 : i32
        %dma_start3A_426 = tpu.memref_slice %arg2[%dma_start3A_424, %dma_start3A_425] : memref<40000x64xf32, #tpu.memory_space<hbm>> -> memref<40000x64xf32, #tpu.memory_space<hbm>>
        tpu.enqueue_indirect_dma source(%dma_start3A_426 : memref<40000x64xf32, #tpu.memory_space<hbm>>) target(%arg17 : memref<125x64xf32, #tpu.memory_space<vmem>>) offsets(%dma_start3A_423 : memref<125xi32, #tpu.memory_space<vmem>>) semaphore(%arg22 : memref<!tpu.dma_semaphore, #tpu.memory_space<semaphore_mem>>)
      } else {
      }
      %mul3A_343 = arith.constant 5 : i32
      %mul3A_344 = arith.muli %scan3A_245, %mul3A_343 : i32
      %add3A_345 = arith.constant 3 : i32
      %add3A_346 = arith.addi %mul3A_344, %add3A_345 : i32
      %dma_wait3A_347 = arith.constant 0 : i32
      %dma_wait3A_348 = tpu.memref_slice %arg14[%add3A_346, %dma_wait3A_347] : memref<80x125xi32, #tpu.memory_space<vmem>> -> memref<1x125xi32, #tpu.memory_space<vmem>>
      %dma_wait3A_349 = tpu.memref_squeeze %dma_wait3A_348 : memref<1x125xi32, #tpu.memory_space<vmem>> -> memref<125xi32, #tpu.memory_space<vmem>>
      %dma_wait3A_350 = arith.constant 0 : i32
      %dma_wait3A_351 = arith.constant 0 : i32
      %dma_wait3A_352 = tpu.memref_slice %arg2[%dma_wait3A_350, %dma_wait3A_351] : memref<40000x64xf32, #tpu.memory_space<hbm>> -> memref<40000x64xf32, #tpu.memory_space<hbm>>
      tpu.wait_indirect_dma semaphore(%arg24 : memref<!tpu.dma_semaphore, #tpu.memory_space<semaphore_mem>>) src(%dma_wait3A_352 : memref<40000x64xf32, #tpu.memory_space<hbm>>) dst(%arg19 : memref<125x64xf32, #tpu.memory_space<vmem>>)
      %dma_start3A_353 = arith.constant 0 : i32
      %dma_start3A_354 = tpu.memref_slice %arg15[%add3A_346, %dma_start3A_353] : memref<80x125xi32, #tpu.memory_space<vmem>> -> memref<1x125xi32, #tpu.memory_space<vmem>>
      %dma_start3A_355 = tpu.memref_squeeze %dma_start3A_354 : memref<1x125xi32, #tpu.memory_space<vmem>> -> memref<125xi32, #tpu.memory_space<vmem>>
      %dma_start3A_356 = arith.constant 0 : i32
      %dma_start3A_357 = arith.constant 0 : i32
      %dma_start3A_358 = tpu.memref_slice %arg10[%dma_start3A_356, %dma_start3A_357] : memref<10000x64xf32, #tpu.memory_space<vmem_shared>> -> memref<10000x64xf32, #tpu.memory_space<vmem_shared>>
      tpu.enqueue_indirect_dma source(%arg19 : memref<125x64xf32, #tpu.memory_space<vmem>>) target(%dma_start3A_358 : memref<10000x64xf32, #tpu.memory_space<vmem_shared>>) offsets(%dma_start3A_355 : memref<125xi32, #tpu.memory_space<vmem>>) semaphore(%arg29 : memref<!tpu.dma_semaphore, #tpu.memory_space<semaphore_mem>>) {add = true}
      %dma_start3A_359 = arith.constant 0 : i32
      %dma_start3A_360 = tpu.memref_slice %arg15[%add3A_346, %dma_start3A_359] : memref<80x125xi32, #tpu.memory_space<vmem>> -> memref<1x125xi32, #tpu.memory_space<vmem>>
      %dma_start3A_361 = tpu.memref_squeeze %dma_start3A_360 : memref<1x125xi32, #tpu.memory_space<vmem>> -> memref<125xi32, #tpu.memory_space<vmem>>
      %dma_start3A_362 = arith.constant 0 : i32
      %dma_start3A_363 = arith.constant 0 : i32
      %dma_start3A_364 = tpu.memref_slice %arg11[%dma_start3A_362, %dma_start3A_363] : memref<10000x8xf32, #tpu.memory_space<vmem_shared>> -> memref<10000x8xf32, #tpu.memory_space<vmem_shared>>
      tpu.enqueue_indirect_dma source(%arg12 : memref<125x8xf32, #tpu.memory_space<vmem>>) target(%dma_start3A_364 : memref<10000x8xf32, #tpu.memory_space<vmem_shared>>) offsets(%dma_start3A_361 : memref<125xi32, #tpu.memory_space<vmem>>) semaphore(%arg34 : memref<!tpu.dma_semaphore, #tpu.memory_space<semaphore_mem>>) {add = true}
      %add3A_365 = arith.constant 5 : i32
      %add3A_366 = arith.addi %add3A_346, %add3A_365 : i32
      %sub3A_367 = arith.constant 1 : i32
      %sub3A_368 = arith.subi %add3A_366, %sub3A_367 : i32
      %lt3A_369 = arith.constant 80 : i32
      %lt3A_370 = arith.cmpi slt, %sub3A_368, %lt3A_369 : i32
      %convert_element_type3A_371 = arith.extui %lt3A_370 : i1 to i32
      %cond3A_372 = arith.constant 0 : i32
      %cond3A_373 = arith.cmpi ne, %convert_element_type3A_371, %cond3A_372 : i32
      scf.if %cond3A_373 {
        %sub3A_405 = arith.constant 1 : i32
        %sub3A_406 = arith.subi %add3A_346, %sub3A_405 : i32
        %dma_wait3A_407 = arith.constant 0 : i32
        %dma_wait3A_408 = tpu.memref_slice %arg15[%sub3A_406, %dma_wait3A_407] : memref<80x125xi32, #tpu.memory_space<vmem>> -> memref<1x125xi32, #tpu.memory_space<vmem>>
        %dma_wait3A_409 = tpu.memref_squeeze %dma_wait3A_408 : memref<1x125xi32, #tpu.memory_space<vmem>> -> memref<125xi32, #tpu.memory_space<vmem>>
        %dma_wait3A_410 = arith.constant 0 : i32
        %dma_wait3A_411 = arith.constant 0 : i32
        %dma_wait3A_412 = tpu.memref_slice %arg10[%dma_wait3A_410, %dma_wait3A_411] : memref<10000x64xf32, #tpu.memory_space<vmem_shared>> -> memref<10000x64xf32, #tpu.memory_space<vmem_shared>>
        tpu.wait_indirect_dma semaphore(%arg28 : memref<!tpu.dma_semaphore, #tpu.memory_space<semaphore_mem>>) src(%arg18 : memref<125x64xf32, #tpu.memory_space<vmem>>) dst(%dma_wait3A_412 : memref<10000x64xf32, #tpu.memory_space<vmem_shared>>)
        %sub3A_413 = arith.constant 1 : i32
        %sub3A_414 = arith.subi %add3A_346, %sub3A_413 : i32
        %dma_wait3A_415 = arith.constant 0 : i32
        %dma_wait3A_416 = tpu.memref_slice %arg15[%sub3A_414, %dma_wait3A_415] : memref<80x125xi32, #tpu.memory_space<vmem>> -> memref<1x125xi32, #tpu.memory_space<vmem>>
        %dma_wait3A_417 = tpu.memref_squeeze %dma_wait3A_416 : memref<1x125xi32, #tpu.memory_space<vmem>> -> memref<125xi32, #tpu.memory_space<vmem>>
        %dma_wait3A_418 = arith.constant 0 : i32
        %dma_wait3A_419 = arith.constant 0 : i32
        %dma_wait3A_420 = tpu.memref_slice %arg11[%dma_wait3A_418, %dma_wait3A_419] : memref<10000x8xf32, #tpu.memory_space<vmem_shared>> -> memref<10000x8xf32, #tpu.memory_space<vmem_shared>>
        tpu.wait_indirect_dma semaphore(%arg33 : memref<!tpu.dma_semaphore, #tpu.memory_space<semaphore_mem>>) src(%arg12 : memref<125x8xf32, #tpu.memory_space<vmem>>) dst(%dma_wait3A_420 : memref<10000x8xf32, #tpu.memory_space<vmem_shared>>)
        %dma_start3A_421 = arith.constant 0 : i32
        %dma_start3A_422 = tpu.memref_slice %arg14[%sub3A_368, %dma_start3A_421] : memref<80x125xi32, #tpu.memory_space<vmem>> -> memref<1x125xi32, #tpu.memory_space<vmem>>
        %dma_start3A_423 = tpu.memref_squeeze %dma_start3A_422 : memref<1x125xi32, #tpu.memory_space<vmem>> -> memref<125xi32, #tpu.memory_space<vmem>>
        %dma_start3A_424 = arith.constant 0 : i32
        %dma_start3A_425 = arith.constant 0 : i32
        %dma_start3A_426 = tpu.memref_slice %arg2[%dma_start3A_424, %dma_start3A_425] : memref<40000x64xf32, #tpu.memory_space<hbm>> -> memref<40000x64xf32, #tpu.memory_space<hbm>>
        tpu.enqueue_indirect_dma source(%dma_start3A_426 : memref<40000x64xf32, #tpu.memory_space<hbm>>) target(%arg18 : memref<125x64xf32, #tpu.memory_space<vmem>>) offsets(%dma_start3A_423 : memref<125xi32, #tpu.memory_space<vmem>>) semaphore(%arg23 : memref<!tpu.dma_semaphore, #tpu.memory_space<semaphore_mem>>)
      } else {
      }
      %mul3A_374 = arith.constant 5 : i32
      %mul3A_375 = arith.muli %scan3A_245, %mul3A_374 : i32
      %add3A_376 = arith.constant 4 : i32
      %add3A_377 = arith.addi %mul3A_375, %add3A_376 : i32
      %dma_wait3A_378 = arith.constant 0 : i32
      %dma_wait3A_379 = tpu.memref_slice %arg14[%add3A_377, %dma_wait3A_378] : memref<80x125xi32, #tpu.memory_space<vmem>> -> memref<1x125xi32, #tpu.memory_space<vmem>>
      %dma_wait3A_380 = tpu.memref_squeeze %dma_wait3A_379 : memref<1x125xi32, #tpu.memory_space<vmem>> -> memref<125xi32, #tpu.memory_space<vmem>>
      %dma_wait3A_381 = arith.constant 0 : i32
      %dma_wait3A_382 = arith.constant 0 : i32
      %dma_wait3A_383 = tpu.memref_slice %arg2[%dma_wait3A_381, %dma_wait3A_382] : memref<40000x64xf32, #tpu.memory_space<hbm>> -> memref<40000x64xf32, #tpu.memory_space<hbm>>
      tpu.wait_indirect_dma semaphore(%arg25 : memref<!tpu.dma_semaphore, #tpu.memory_space<semaphore_mem>>) src(%dma_wait3A_383 : memref<40000x64xf32, #tpu.memory_space<hbm>>) dst(%arg20 : memref<125x64xf32, #tpu.memory_space<vmem>>)
      %dma_start3A_384 = arith.constant 0 : i32
      %dma_start3A_385 = tpu.memref_slice %arg15[%add3A_377, %dma_start3A_384] : memref<80x125xi32, #tpu.memory_space<vmem>> -> memref<1x125xi32, #tpu.memory_space<vmem>>
      %dma_start3A_386 = tpu.memref_squeeze %dma_start3A_385 : memref<1x125xi32, #tpu.memory_space<vmem>> -> memref<125xi32, #tpu.memory_space<vmem>>
      %dma_start3A_387 = arith.constant 0 : i32
      %dma_start3A_388 = arith.constant 0 : i32
      %dma_start3A_389 = tpu.memref_slice %arg10[%dma_start3A_387, %dma_start3A_388] : memref<10000x64xf32, #tpu.memory_space<vmem_shared>> -> memref<10000x64xf32, #tpu.memory_space<vmem_shared>>
      tpu.enqueue_indirect_dma source(%arg20 : memref<125x64xf32, #tpu.memory_space<vmem>>) target(%dma_start3A_389 : memref<10000x64xf32, #tpu.memory_space<vmem_shared>>) offsets(%dma_start3A_386 : memref<125xi32, #tpu.memory_space<vmem>>) semaphore(%arg30 : memref<!tpu.dma_semaphore, #tpu.memory_space<semaphore_mem>>) {add = true}
      %dma_start3A_390 = arith.constant 0 : i32
      %dma_start3A_391 = tpu.memref_slice %arg15[%add3A_377, %dma_start3A_390] : memref<80x125xi32, #tpu.memory_space<vmem>> -> memref<1x125xi32, #tpu.memory_space<vmem>>
      %dma_start3A_392 = tpu.memref_squeeze %dma_start3A_391 : memref<1x125xi32, #tpu.memory_space<vmem>> -> memref<125xi32, #tpu.memory_space<vmem>>
      %dma_start3A_393 = arith.constant 0 : i32
      %dma_start3A_394 = arith.constant 0 : i32
      %dma_start3A_395 = tpu.memref_slice %arg11[%dma_start3A_393, %dma_start3A_394] : memref<10000x8xf32, #tpu.memory_space<vmem_shared>> -> memref<10000x8xf32, #tpu.memory_space<vmem_shared>>
      tpu.enqueue_indirect_dma source(%arg12 : memref<125x8xf32, #tpu.memory_space<vmem>>) target(%dma_start3A_395 : memref<10000x8xf32, #tpu.memory_space<vmem_shared>>) offsets(%dma_start3A_392 : memref<125xi32, #tpu.memory_space<vmem>>) semaphore(%arg35 : memref<!tpu.dma_semaphore, #tpu.memory_space<semaphore_mem>>) {add = true}
      %add3A_396 = arith.constant 5 : i32
      %add3A_397 = arith.addi %add3A_377, %add3A_396 : i32
      %sub3A_398 = arith.constant 1 : i32
      %sub3A_399 = arith.subi %add3A_397, %sub3A_398 : i32
      %lt3A_400 = arith.constant 80 : i32
      %lt3A_401 = arith.cmpi slt, %sub3A_399, %lt3A_400 : i32
      %convert_element_type3A_402 = arith.extui %lt3A_401 : i1 to i32
      %cond3A_403 = arith.constant 0 : i32
      %cond3A_404 = arith.cmpi ne, %convert_element_type3A_402, %cond3A_403 : i32
      scf.if %cond3A_404 {
        %sub3A_405 = arith.constant 1 : i32
        %sub3A_406 = arith.subi %add3A_377, %sub3A_405 : i32
        %dma_wait3A_407 = arith.constant 0 : i32
        %dma_wait3A_408 = tpu.memref_slice %arg15[%sub3A_406, %dma_wait3A_407] : memref<80x125xi32, #tpu.memory_space<vmem>> -> memref<1x125xi32, #tpu.memory_space<vmem>>
        %dma_wait3A_409 = tpu.memref_squeeze %dma_wait3A_408 : memref<1x125xi32, #tpu.memory_space<vmem>> -> memref<125xi32, #tpu.memory_space<vmem>>
        %dma_wait3A_410 = arith.constant 0 : i32
        %dma_wait3A_411 = arith.constant 0 : i32
        %dma_wait3A_412 = tpu.memref_slice %arg10[%dma_wait3A_410, %dma_wait3A_411] : memref<10000x64xf32, #tpu.memory_space<vmem_shared>> -> memref<10000x64xf32, #tpu.memory_space<vmem_shared>>
        tpu.wait_indirect_dma semaphore(%arg29 : memref<!tpu.dma_semaphore, #tpu.memory_space<semaphore_mem>>) src(%arg19 : memref<125x64xf32, #tpu.memory_space<vmem>>) dst(%dma_wait3A_412 : memref<10000x64xf32, #tpu.memory_space<vmem_shared>>)
        %sub3A_413 = arith.constant 1 : i32
        %sub3A_414 = arith.subi %add3A_377, %sub3A_413 : i32
        %dma_wait3A_415 = arith.constant 0 : i32
        %dma_wait3A_416 = tpu.memref_slice %arg15[%sub3A_414, %dma_wait3A_415] : memref<80x125xi32, #tpu.memory_space<vmem>> -> memref<1x125xi32, #tpu.memory_space<vmem>>
        %dma_wait3A_417 = tpu.memref_squeeze %dma_wait3A_416 : memref<1x125xi32, #tpu.memory_space<vmem>> -> memref<125xi32, #tpu.memory_space<vmem>>
        %dma_wait3A_418 = arith.constant 0 : i32
        %dma_wait3A_419 = arith.constant 0 : i32
        %dma_wait3A_420 = tpu.memref_slice %arg11[%dma_wait3A_418, %dma_wait3A_419] : memref<10000x8xf32, #tpu.memory_space<vmem_shared>> -> memref<10000x8xf32, #tpu.memory_space<vmem_shared>>
        tpu.wait_indirect_dma semaphore(%arg34 : memref<!tpu.dma_semaphore, #tpu.memory_space<semaphore_mem>>) src(%arg12 : memref<125x8xf32, #tpu.memory_space<vmem>>) dst(%dma_wait3A_420 : memref<10000x8xf32, #tpu.memory_space<vmem_shared>>)
        %dma_start3A_421 = arith.constant 0 : i32
        %dma_start3A_422 = tpu.memref_slice %arg14[%sub3A_399, %dma_start3A_421] : memref<80x125xi32, #tpu.memory_space<vmem>> -> memref<1x125xi32, #tpu.memory_space<vmem>>
        %dma_start3A_423 = tpu.memref_squeeze %dma_start3A_422 : memref<1x125xi32, #tpu.memory_space<vmem>> -> memref<125xi32, #tpu.memory_space<vmem>>
        %dma_start3A_424 = arith.constant 0 : i32
        %dma_start3A_425 = arith.constant 0 : i32
        %dma_start3A_426 = tpu.memref_slice %arg2[%dma_start3A_424, %dma_start3A_425] : memref<40000x64xf32, #tpu.memory_space<hbm>> -> memref<40000x64xf32, #tpu.memory_space<hbm>>
        tpu.enqueue_indirect_dma source(%dma_start3A_426 : memref<40000x64xf32, #tpu.memory_space<hbm>>) target(%arg19 : memref<125x64xf32, #tpu.memory_space<vmem>>) offsets(%dma_start3A_423 : memref<125xi32, #tpu.memory_space<vmem>>) semaphore(%arg24 : memref<!tpu.dma_semaphore, #tpu.memory_space<semaphore_mem>>)
      } else {
      }
    }
    %scan3A_60 = arith.constant 16 : i32
    %dma_wait3A = arith.constant 75 : i32
    %dma_wait3A_61 = arith.constant 0 : i32
    %dma_wait3A_62 = tpu.memref_slice %arg15[%dma_wait3A, %dma_wait3A_61] : memref<80x125xi32, #tpu.memory_space<vmem>> -> memref<1x125xi32, #tpu.memory_space<vmem>>
    %dma_wait3A_63 = tpu.memref_squeeze %dma_wait3A_62 : memref<1x125xi32, #tpu.memory_space<vmem>> -> memref<125xi32, #tpu.memory_space<vmem>>
    %dma_wait3A_64 = arith.constant 0 : i32
    %dma_wait3A_65 = arith.constant 0 : i32
    %dma_wait3A_66 = tpu.memref_slice %arg10[%dma_wait3A_64, %dma_wait3A_65] : memref<10000x64xf32, #tpu.memory_space<vmem_shared>> -> memref<10000x64xf32, #tpu.memory_space<vmem_shared>>
    tpu.wait_indirect_dma semaphore(%arg26 : memref<!tpu.dma_semaphore, #tpu.memory_space<semaphore_mem>>) src(%arg16 : memref<125x64xf32, #tpu.memory_space<vmem>>) dst(%dma_wait3A_66 : memref<10000x64xf32, #tpu.memory_space<vmem_shared>>)
    %dma_wait3A_67 = arith.constant 75 : i32
    %dma_wait3A_68 = arith.constant 0 : i32
    %dma_wait3A_69 = tpu.memref_slice %arg15[%dma_wait3A_67, %dma_wait3A_68] : memref<80x125xi32, #tpu.memory_space<vmem>> -> memref<1x125xi32, #tpu.memory_space<vmem>>
    %dma_wait3A_70 = tpu.memref_squeeze %dma_wait3A_69 : memref<1x125xi32, #tpu.memory_space<vmem>> -> memref<125xi32, #tpu.memory_space<vmem>>
    %dma_wait3A_71 = arith.constant 0 : i32
    %dma_wait3A_72 = arith.constant 0 : i32
    %dma_wait3A_73 = tpu.memref_slice %arg11[%dma_wait3A_71, %dma_wait3A_72] : memref<10000x8xf32, #tpu.memory_space<vmem_shared>> -> memref<10000x8xf32, #tpu.memory_space<vmem_shared>>
    tpu.wait_indirect_dma semaphore(%arg31 : memref<!tpu.dma_semaphore, #tpu.memory_space<semaphore_mem>>) src(%arg12 : memref<125x8xf32, #tpu.memory_space<vmem>>) dst(%dma_wait3A_73 : memref<10000x8xf32, #tpu.memory_space<vmem_shared>>)
    %dma_wait3A_74 = arith.constant 76 : i32
    %dma_wait3A_75 = arith.constant 0 : i32
    %dma_wait3A_76 = tpu.memref_slice %arg15[%dma_wait3A_74, %dma_wait3A_75] : memref<80x125xi32, #tpu.memory_space<vmem>> -> memref<1x125xi32, #tpu.memory_space<vmem>>
    %dma_wait3A_77 = tpu.memref_squeeze %dma_wait3A_76 : memref<1x125xi32, #tpu.memory_space<vmem>> -> memref<125xi32, #tpu.memory_space<vmem>>
    %dma_wait3A_78 = arith.constant 0 : i32
    %dma_wait3A_79 = arith.constant 0 : i32
    %dma_wait3A_80 = tpu.memref_slice %arg10[%dma_wait3A_78, %dma_wait3A_79] : memref<10000x64xf32, #tpu.memory_space<vmem_shared>> -> memref<10000x64xf32, #tpu.memory_space<vmem_shared>>
    tpu.wait_indirect_dma semaphore(%arg27 : memref<!tpu.dma_semaphore, #tpu.memory_space<semaphore_mem>>) src(%arg17 : memref<125x64xf32, #tpu.memory_space<vmem>>) dst(%dma_wait3A_80 : memref<10000x64xf32, #tpu.memory_space<vmem_shared>>)
    %dma_wait3A_81 = arith.constant 76 : i32
    %dma_wait3A_82 = arith.constant 0 : i32
    %dma_wait3A_83 = tpu.memref_slice %arg15[%dma_wait3A_81, %dma_wait3A_82] : memref<80x125xi32, #tpu.memory_space<vmem>> -> memref<1x125xi32, #tpu.memory_space<vmem>>
    %dma_wait3A_84 = tpu.memref_squeeze %dma_wait3A_83 : memref<1x125xi32, #tpu.memory_space<vmem>> -> memref<125xi32, #tpu.memory_space<vmem>>
    %dma_wait3A_85 = arith.constant 0 : i32
    %dma_wait3A_86 = arith.constant 0 : i32
    %dma_wait3A_87 = tpu.memref_slice %arg11[%dma_wait3A_85, %dma_wait3A_86] : memref<10000x8xf32, #tpu.memory_space<vmem_shared>> -> memref<10000x8xf32, #tpu.memory_space<vmem_shared>>
    tpu.wait_indirect_dma semaphore(%arg32 : memref<!tpu.dma_semaphore, #tpu.memory_space<semaphore_mem>>) src(%arg12 : memref<125x8xf32, #tpu.memory_space<vmem>>) dst(%dma_wait3A_87 : memref<10000x8xf32, #tpu.memory_space<vmem_shared>>)
    %dma_wait3A_88 = arith.constant 77 : i32
    %dma_wait3A_89 = arith.constant 0 : i32
    %dma_wait3A_90 = tpu.memref_slice %arg15[%dma_wait3A_88, %dma_wait3A_89] : memref<80x125xi32, #tpu.memory_space<vmem>> -> memref<1x125xi32, #tpu.memory_space<vmem>>
    %dma_wait3A_91 = tpu.memref_squeeze %dma_wait3A_90 : memref<1x125xi32, #tpu.memory_space<vmem>> -> memref<125xi32, #tpu.memory_space<vmem>>
    %dma_wait3A_92 = arith.constant 0 : i32
    %dma_wait3A_93 = arith.constant 0 : i32
    %dma_wait3A_94 = tpu.memref_slice %arg10[%dma_wait3A_92, %dma_wait3A_93] : memref<10000x64xf32, #tpu.memory_space<vmem_shared>> -> memref<10000x64xf32, #tpu.memory_space<vmem_shared>>
    tpu.wait_indirect_dma semaphore(%arg28 : memref<!tpu.dma_semaphore, #tpu.memory_space<semaphore_mem>>) src(%arg18 : memref<125x64xf32, #tpu.memory_space<vmem>>) dst(%dma_wait3A_94 : memref<10000x64xf32, #tpu.memory_space<vmem_shared>>)
    %dma_wait3A_95 = arith.constant 77 : i32
    %dma_wait3A_96 = arith.constant 0 : i32
    %dma_wait3A_97 = tpu.memref_slice %arg15[%dma_wait3A_95, %dma_wait3A_96] : memref<80x125xi32, #tpu.memory_space<vmem>> -> memref<1x125xi32, #tpu.memory_space<vmem>>
    %dma_wait3A_98 = tpu.memref_squeeze %dma_wait3A_97 : memref<1x125xi32, #tpu.memory_space<vmem>> -> memref<125xi32, #tpu.memory_space<vmem>>
    %dma_wait3A_99 = arith.constant 0 : i32
    %dma_wait3A_100 = arith.constant 0 : i32
    %dma_wait3A_101 = tpu.memref_slice %arg11[%dma_wait3A_99, %dma_wait3A_100] : memref<10000x8xf32, #tpu.memory_space<vmem_shared>> -> memref<10000x8xf32, #tpu.memory_space<vmem_shared>>
    tpu.wait_indirect_dma semaphore(%arg33 : memref<!tpu.dma_semaphore, #tpu.memory_space<semaphore_mem>>) src(%arg12 : memref<125x8xf32, #tpu.memory_space<vmem>>) dst(%dma_wait3A_101 : memref<10000x8xf32, #tpu.memory_space<vmem_shared>>)
    %dma_wait3A_102 = arith.constant 78 : i32
    %dma_wait3A_103 = arith.constant 0 : i32
    %dma_wait3A_104 = tpu.memref_slice %arg15[%dma_wait3A_102, %dma_wait3A_103] : memref<80x125xi32, #tpu.memory_space<vmem>> -> memref<1x125xi32, #tpu.memory_space<vmem>>
    %dma_wait3A_105 = tpu.memref_squeeze %dma_wait3A_104 : memref<1x125xi32, #tpu.memory_space<vmem>> -> memref<125xi32, #tpu.memory_space<vmem>>
    %dma_wait3A_106 = arith.constant 0 : i32
    %dma_wait3A_107 = arith.constant 0 : i32
    %dma_wait3A_108 = tpu.memref_slice %arg10[%dma_wait3A_106, %dma_wait3A_107] : memref<10000x64xf32, #tpu.memory_space<vmem_shared>> -> memref<10000x64xf32, #tpu.memory_space<vmem_shared>>
    tpu.wait_indirect_dma semaphore(%arg29 : memref<!tpu.dma_semaphore, #tpu.memory_space<semaphore_mem>>) src(%arg19 : memref<125x64xf32, #tpu.memory_space<vmem>>) dst(%dma_wait3A_108 : memref<10000x64xf32, #tpu.memory_space<vmem_shared>>)
    %dma_wait3A_109 = arith.constant 78 : i32
    %dma_wait3A_110 = arith.constant 0 : i32
    %dma_wait3A_111 = tpu.memref_slice %arg15[%dma_wait3A_109, %dma_wait3A_110] : memref<80x125xi32, #tpu.memory_space<vmem>> -> memref<1x125xi32, #tpu.memory_space<vmem>>
    %dma_wait3A_112 = tpu.memref_squeeze %dma_wait3A_111 : memref<1x125xi32, #tpu.memory_space<vmem>> -> memref<125xi32, #tpu.memory_space<vmem>>
    %dma_wait3A_113 = arith.constant 0 : i32
    %dma_wait3A_114 = arith.constant 0 : i32
    %dma_wait3A_115 = tpu.memref_slice %arg11[%dma_wait3A_113, %dma_wait3A_114] : memref<10000x8xf32, #tpu.memory_space<vmem_shared>> -> memref<10000x8xf32, #tpu.memory_space<vmem_shared>>
    tpu.wait_indirect_dma semaphore(%arg34 : memref<!tpu.dma_semaphore, #tpu.memory_space<semaphore_mem>>) src(%arg12 : memref<125x8xf32, #tpu.memory_space<vmem>>) dst(%dma_wait3A_115 : memref<10000x8xf32, #tpu.memory_space<vmem_shared>>)
    %dma_wait3A_116 = arith.constant 79 : i32
    %dma_wait3A_117 = arith.constant 0 : i32
    %dma_wait3A_118 = tpu.memref_slice %arg15[%dma_wait3A_116, %dma_wait3A_117] : memref<80x125xi32, #tpu.memory_space<vmem>> -> memref<1x125xi32, #tpu.memory_space<vmem>>
    %dma_wait3A_119 = tpu.memref_squeeze %dma_wait3A_118 : memref<1x125xi32, #tpu.memory_space<vmem>> -> memref<125xi32, #tpu.memory_space<vmem>>
    %dma_wait3A_120 = arith.constant 0 : i32
    %dma_wait3A_121 = arith.constant 0 : i32
    %dma_wait3A_122 = tpu.memref_slice %arg10[%dma_wait3A_120, %dma_wait3A_121] : memref<10000x64xf32, #tpu.memory_space<vmem_shared>> -> memref<10000x64xf32, #tpu.memory_space<vmem_shared>>
    tpu.wait_indirect_dma semaphore(%arg30 : memref<!tpu.dma_semaphore, #tpu.memory_space<semaphore_mem>>) src(%arg20 : memref<125x64xf32, #tpu.memory_space<vmem>>) dst(%dma_wait3A_122 : memref<10000x64xf32, #tpu.memory_space<vmem_shared>>)
    %dma_wait3A_123 = arith.constant 79 : i32
    %dma_wait3A_124 = arith.constant 0 : i32
    %dma_wait3A_125 = tpu.memref_slice %arg15[%dma_wait3A_123, %dma_wait3A_124] : memref<80x125xi32, #tpu.memory_space<vmem>> -> memref<1x125xi32, #tpu.memory_space<vmem>>
    %dma_wait3A_126 = tpu.memref_squeeze %dma_wait3A_125 : memref<1x125xi32, #tpu.memory_space<vmem>> -> memref<125xi32, #tpu.memory_space<vmem>>
    %dma_wait3A_127 = arith.constant 0 : i32
    %dma_wait3A_128 = arith.constant 0 : i32
    %dma_wait3A_129 = tpu.memref_slice %arg11[%dma_wait3A_127, %dma_wait3A_128] : memref<10000x8xf32, #tpu.memory_space<vmem_shared>> -> memref<10000x8xf32, #tpu.memory_space<vmem_shared>>
    tpu.wait_indirect_dma semaphore(%arg35 : memref<!tpu.dma_semaphore, #tpu.memory_space<semaphore_mem>>) src(%arg12 : memref<125x8xf32, #tpu.memory_space<vmem>>) dst(%dma_wait3A_129 : memref<10000x8xf32, #tpu.memory_space<vmem_shared>>)
    %barrier3A_130 = arith.constant 0 : index
    tpu.barrier barrier_id(%barrier3A_130)
    %mul3A_131 = arith.constant 625 : i32
    %mul3A_132 = arith.muli %arg1, %mul3A_131 : i32
    %mul3A_133 = arith.constant 10000 : i32
    %mul3A_134 = arith.muli %add3A_1, %mul3A_133 : i32
    %mul3A_135 = arith.constant 625 : i32
    %mul3A_136 = arith.muli %arg1, %mul3A_135 : i32
    %add3A_137 = arith.addi %mul3A_134, %mul3A_136 : i32
    "tpu.region"() ({
      %run_scoped3A = tpu.sem_alloc : memref<!tpu.dma_semaphore, #tpu.memory_space<semaphore_mem>>
      %dma_start3A_245 = arith.constant 0 : i32
      %dma_start3A_246 = tpu.memref_slice %arg8[%add3A_137, %dma_start3A_245] : memref<40000x64xf32, #tpu.memory_space<hbm>> -> memref<625x64xf32, #tpu.memory_space<hbm>>
      %dma_start3A_247 = arith.constant 0 : i32
      %dma_start3A_248 = tpu.memref_slice %arg10[%mul3A_132, %dma_start3A_247] : memref<10000x64xf32, #tpu.memory_space<vmem_shared>> -> memref<625x64xf32, #tpu.memory_space<vmem_shared>>
      tpu.enqueue_dma source(%dma_start3A_248 : memref<625x64xf32, #tpu.memory_space<vmem_shared>>) target(%dma_start3A_246 : memref<625x64xf32, #tpu.memory_space<hbm>>) target_semaphore(%run_scoped3A : memref<!tpu.dma_semaphore, #tpu.memory_space<semaphore_mem>>)
      %dma_wait3A_249 = arith.constant 0 : i32
      %dma_wait3A_250 = tpu.memref_slice %arg8[%add3A_137, %dma_wait3A_249] : memref<40000x64xf32, #tpu.memory_space<hbm>> -> memref<625x64xf32, #tpu.memory_space<hbm>>
      %dma_wait3A_251 = arith.constant 0 : i32
      %dma_wait3A_252 = tpu.memref_slice %arg10[%mul3A_132, %dma_wait3A_251] : memref<10000x64xf32, #tpu.memory_space<vmem_shared>> -> memref<625x64xf32, #tpu.memory_space<vmem_shared>>
      tpu.wait_dma2 semaphore(%run_scoped3A : memref<!tpu.dma_semaphore, #tpu.memory_space<semaphore_mem>>) src(%dma_wait3A_252 : memref<625x64xf32, #tpu.memory_space<vmem_shared>>) dst(%dma_wait3A_250 : memref<625x64xf32, #tpu.memory_space<hbm>>)
      tpu.yield
    }) : () -> ()
    %eq3A = arith.constant 0 : i32
    %eq3A_138 = arith.cmpi eq, %arg0, %eq3A : i32
    %convert_element_type3A = arith.extui %eq3A_138 : i1 to i32
    %cond3A = arith.constant 0 : i32
    %cond3A_139 = arith.cmpi ne, %convert_element_type3A, %cond3A : i32
    scf.if %cond3A_139 {
      %mul3A_245 = arith.constant 625 : i32
      %mul3A_246 = arith.muli %arg1, %mul3A_245 : i32
      %mul3A_247 = arith.constant 625 : i32
      %mul3A_248 = arith.muli %arg1, %mul3A_247 : i32
      "tpu.region"() ({
        %run_scoped3A = tpu.sem_alloc : memref<!tpu.dma_semaphore, #tpu.memory_space<semaphore_mem>>
        %dma_start3A_249 = arith.constant 0 : i32
        %dma_start3A_250 = tpu.memref_slice %arg9[%mul3A_248, %dma_start3A_249] : memref<10000x8xf32, #tpu.memory_space<hbm>> -> memref<625x8xf32, #tpu.memory_space<hbm>>
        %dma_start3A_251 = arith.constant 0 : i32
        %dma_start3A_252 = tpu.memref_slice %arg11[%mul3A_246, %dma_start3A_251] : memref<10000x8xf32, #tpu.memory_space<vmem_shared>> -> memref<625x8xf32, #tpu.memory_space<vmem_shared>>
        tpu.enqueue_dma source(%dma_start3A_252 : memref<625x8xf32, #tpu.memory_space<vmem_shared>>) target(%dma_start3A_250 : memref<625x8xf32, #tpu.memory_space<hbm>>) target_semaphore(%run_scoped3A : memref<!tpu.dma_semaphore, #tpu.memory_space<semaphore_mem>>)
        %dma_wait3A_253 = arith.constant 0 : i32
        %dma_wait3A_254 = tpu.memref_slice %arg9[%mul3A_248, %dma_wait3A_253] : memref<10000x8xf32, #tpu.memory_space<hbm>> -> memref<625x8xf32, #tpu.memory_space<hbm>>
        %dma_wait3A_255 = arith.constant 0 : i32
        %dma_wait3A_256 = tpu.memref_slice %arg11[%mul3A_246, %dma_wait3A_255] : memref<10000x8xf32, #tpu.memory_space<vmem_shared>> -> memref<625x8xf32, #tpu.memory_space<vmem_shared>>
        tpu.wait_dma2 semaphore(%run_scoped3A : memref<!tpu.dma_semaphore, #tpu.memory_space<semaphore_mem>>) src(%dma_wait3A_256 : memref<625x8xf32, #tpu.memory_space<vmem_shared>>) dst(%dma_wait3A_254 : memref<625x8xf32, #tpu.memory_space<hbm>>)
        tpu.yield
      }) : () -> ()
    } else {
    }
    %add3A_140 = arith.constant 2 : i32
    %add3A_141 = arith.addi %arg0, %add3A_140 : i32
    %mul3A_142 = arith.constant 625 : i32
    %mul3A_143 = arith.muli %arg1, %mul3A_142 : i32
    %add3A_144 = arith.constant 0 : i32
    %add3A_145 = arith.addi %mul3A_143, %add3A_144 : i32
    "tpu.region"() ({
      %run_scoped3A = tpu.sem_alloc : memref<!tpu.dma_semaphore, #tpu.memory_space<semaphore_mem>>
      %dma_start3A_245 = arith.constant 0 : i32
      %dma_start3A_246 = tpu.memref_slice %arg10[%add3A_145, %dma_start3A_245] : memref<10000x64xf32, #tpu.memory_space<vmem_shared>> -> memref<125x64xf32, #tpu.memory_space<vmem_shared>>
      %dma_start3A_247 = arith.constant 0 : i32
      %dma_start3A_248 = tpu.memref_slice %arg10[%add3A_145, %dma_start3A_247] : memref<10000x64xf32, #tpu.memory_space<vmem_shared>> -> memref<125x64xf32, #tpu.memory_space<vmem_shared>>
      tpu.enqueue_dma source(%arg13 : memref<125x64xf32, #tpu.memory_space<vmem>>) target(%dma_start3A_248 : memref<125x64xf32, #tpu.memory_space<vmem_shared>>) target_semaphore(%run_scoped3A : memref<!tpu.dma_semaphore, #tpu.memory_space<semaphore_mem>>)
      %dma_wait3A_249 = arith.constant 0 : i32
      %dma_wait3A_250 = tpu.memref_slice %arg10[%add3A_145, %dma_wait3A_249] : memref<10000x64xf32, #tpu.memory_space<vmem_shared>> -> memref<125x64xf32, #tpu.memory_space<vmem_shared>>
      %dma_wait3A_251 = arith.constant 0 : i32
      %dma_wait3A_252 = tpu.memref_slice %arg10[%add3A_145, %dma_wait3A_251] : memref<10000x64xf32, #tpu.memory_space<vmem_shared>> -> memref<125x64xf32, #tpu.memory_space<vmem_shared>>
      tpu.wait_dma2 semaphore(%run_scoped3A : memref<!tpu.dma_semaphore, #tpu.memory_space<semaphore_mem>>) src(%arg13 : memref<125x64xf32, #tpu.memory_space<vmem>>) dst(%dma_wait3A_252 : memref<125x64xf32, #tpu.memory_space<vmem_shared>>)
      tpu.yield
    }) : () -> ()
    %mul3A_146 = arith.constant 625 : i32
    %mul3A_147 = arith.muli %arg1, %mul3A_146 : i32
    %add3A_148 = arith.constant 125 : i32
    %add3A_149 = arith.addi %mul3A_147, %add3A_148 : i32
    "tpu.region"() ({
      %run_scoped3A = tpu.sem_alloc : memref<!tpu.dma_semaphore, #tpu.memory_space<semaphore_mem>>
      %dma_start3A_245 = arith.constant 0 : i32
      %dma_start3A_246 = tpu.memref_slice %arg10[%add3A_149, %dma_start3A_245] : memref<10000x64xf32, #tpu.memory_space<vmem_shared>> -> memref<125x64xf32, #tpu.memory_space<vmem_shared>>
      %dma_start3A_247 = arith.constant 0 : i32
      %dma_start3A_248 = tpu.memref_slice %arg10[%add3A_149, %dma_start3A_247] : memref<10000x64xf32, #tpu.memory_space<vmem_shared>> -> memref<125x64xf32, #tpu.memory_space<vmem_shared>>
      tpu.enqueue_dma source(%arg13 : memref<125x64xf32, #tpu.memory_space<vmem>>) target(%dma_start3A_248 : memref<125x64xf32, #tpu.memory_space<vmem_shared>>) target_semaphore(%run_scoped3A : memref<!tpu.dma_semaphore, #tpu.memory_space<semaphore_mem>>)
      %dma_wait3A_249 = arith.constant 0 : i32
      %dma_wait3A_250 = tpu.memref_slice %arg10[%add3A_149, %dma_wait3A_249] : memref<10000x64xf32, #tpu.memory_space<vmem_shared>> -> memref<125x64xf32, #tpu.memory_space<vmem_shared>>
      %dma_wait3A_251 = arith.constant 0 : i32
      %dma_wait3A_252 = tpu.memref_slice %arg10[%add3A_149, %dma_wait3A_251] : memref<10000x64xf32, #tpu.memory_space<vmem_shared>> -> memref<125x64xf32, #tpu.memory_space<vmem_shared>>
      tpu.wait_dma2 semaphore(%run_scoped3A : memref<!tpu.dma_semaphore, #tpu.memory_space<semaphore_mem>>) src(%arg13 : memref<125x64xf32, #tpu.memory_space<vmem>>) dst(%dma_wait3A_252 : memref<125x64xf32, #tpu.memory_space<vmem_shared>>)
      tpu.yield
    }) : () -> ()
    %mul3A_150 = arith.constant 625 : i32
    %mul3A_151 = arith.muli %arg1, %mul3A_150 : i32
    %add3A_152 = arith.constant 250 : i32
    %add3A_153 = arith.addi %mul3A_151, %add3A_152 : i32
    "tpu.region"() ({
      %run_scoped3A = tpu.sem_alloc : memref<!tpu.dma_semaphore, #tpu.memory_space<semaphore_mem>>
      %dma_start3A_245 = arith.constant 0 : i32
      %dma_start3A_246 = tpu.memref_slice %arg10[%add3A_153, %dma_start3A_245] : memref<10000x64xf32, #tpu.memory_space<vmem_shared>> -> memref<125x64xf32, #tpu.memory_space<vmem_shared>>
      %dma_start3A_247 = arith.constant 0 : i32
      %dma_start3A_248 = tpu.memref_slice %arg10[%add3A_153, %dma_start3A_247] : memref<10000x64xf32, #tpu.memory_space<vmem_shared>> -> memref<125x64xf32, #tpu.memory_space<vmem_shared>>
      tpu.enqueue_dma source(%arg13 : memref<125x64xf32, #tpu.memory_space<vmem>>) target(%dma_start3A_248 : memref<125x64xf32, #tpu.memory_space<vmem_shared>>) target_semaphore(%run_scoped3A : memref<!tpu.dma_semaphore, #tpu.memory_space<semaphore_mem>>)
      %dma_wait3A_249 = arith.constant 0 : i32
      %dma_wait3A_250 = tpu.memref_slice %arg10[%add3A_153, %dma_wait3A_249] : memref<10000x64xf32, #tpu.memory_space<vmem_shared>> -> memref<125x64xf32, #tpu.memory_space<vmem_shared>>
      %dma_wait3A_251 = arith.constant 0 : i32
      %dma_wait3A_252 = tpu.memref_slice %arg10[%add3A_153, %dma_wait3A_251] : memref<10000x64xf32, #tpu.memory_space<vmem_shared>> -> memref<125x64xf32, #tpu.memory_space<vmem_shared>>
      tpu.wait_dma2 semaphore(%run_scoped3A : memref<!tpu.dma_semaphore, #tpu.memory_space<semaphore_mem>>) src(%arg13 : memref<125x64xf32, #tpu.memory_space<vmem>>) dst(%dma_wait3A_252 : memref<125x64xf32, #tpu.memory_space<vmem_shared>>)
      tpu.yield
    }) : () -> ()
    %mul3A_154 = arith.constant 625 : i32
    %mul3A_155 = arith.muli %arg1, %mul3A_154 : i32
    %add3A_156 = arith.constant 375 : i32
    %add3A_157 = arith.addi %mul3A_155, %add3A_156 : i32
    "tpu.region"() ({
      %run_scoped3A = tpu.sem_alloc : memref<!tpu.dma_semaphore, #tpu.memory_space<semaphore_mem>>
      %dma_start3A_245 = arith.constant 0 : i32
      %dma_start3A_246 = tpu.memref_slice %arg10[%add3A_157, %dma_start3A_245] : memref<10000x64xf32, #tpu.memory_space<vmem_shared>> -> memref<125x64xf32, #tpu.memory_space<vmem_shared>>
      %dma_start3A_247 = arith.constant 0 : i32
      %dma_start3A_248 = tpu.memref_slice %arg10[%add3A_157, %dma_start3A_247] : memref<10000x64xf32, #tpu.memory_space<vmem_shared>> -> memref<125x64xf32, #tpu.memory_space<vmem_shared>>
      tpu.enqueue_dma source(%arg13 : memref<125x64xf32, #tpu.memory_space<vmem>>) target(%dma_start3A_248 : memref<125x64xf32, #tpu.memory_space<vmem_shared>>) target_semaphore(%run_scoped3A : memref<!tpu.dma_semaphore, #tpu.memory_space<semaphore_mem>>)
      %dma_wait3A_249 = arith.constant 0 : i32
      %dma_wait3A_250 = tpu.memref_slice %arg10[%add3A_157, %dma_wait3A_249] : memref<10000x64xf32, #tpu.memory_space<vmem_shared>> -> memref<125x64xf32, #tpu.memory_space<vmem_shared>>
      %dma_wait3A_251 = arith.constant 0 : i32
      %dma_wait3A_252 = tpu.memref_slice %arg10[%add3A_157, %dma_wait3A_251] : memref<10000x64xf32, #tpu.memory_space<vmem_shared>> -> memref<125x64xf32, #tpu.memory_space<vmem_shared>>
      tpu.wait_dma2 semaphore(%run_scoped3A : memref<!tpu.dma_semaphore, #tpu.memory_space<semaphore_mem>>) src(%arg13 : memref<125x64xf32, #tpu.memory_space<vmem>>) dst(%dma_wait3A_252 : memref<125x64xf32, #tpu.memory_space<vmem_shared>>)
      tpu.yield
    }) : () -> ()
    %mul3A_158 = arith.constant 625 : i32
    %mul3A_159 = arith.muli %arg1, %mul3A_158 : i32
    %add3A_160 = arith.constant 500 : i32
    %add3A_161 = arith.addi %mul3A_159, %add3A_160 : i32
    "tpu.region"() ({
      %run_scoped3A = tpu.sem_alloc : memref<!tpu.dma_semaphore, #tpu.memory_space<semaphore_mem>>
      %dma_start3A_245 = arith.constant 0 : i32
      %dma_start3A_246 = tpu.memref_slice %arg10[%add3A_161, %dma_start3A_245] : memref<10000x64xf32, #tpu.memory_space<vmem_shared>> -> memref<125x64xf32, #tpu.memory_space<vmem_shared>>
      %dma_start3A_247 = arith.constant 0 : i32
      %dma_start3A_248 = tpu.memref_slice %arg10[%add3A_161, %dma_start3A_247] : memref<10000x64xf32, #tpu.memory_space<vmem_shared>> -> memref<125x64xf32, #tpu.memory_space<vmem_shared>>
      tpu.enqueue_dma source(%arg13 : memref<125x64xf32, #tpu.memory_space<vmem>>) target(%dma_start3A_248 : memref<125x64xf32, #tpu.memory_space<vmem_shared>>) target_semaphore(%run_scoped3A : memref<!tpu.dma_semaphore, #tpu.memory_space<semaphore_mem>>)
      %dma_wait3A_249 = arith.constant 0 : i32
      %dma_wait3A_250 = tpu.memref_slice %arg10[%add3A_161, %dma_wait3A_249] : memref<10000x64xf32, #tpu.memory_space<vmem_shared>> -> memref<125x64xf32, #tpu.memory_space<vmem_shared>>
      %dma_wait3A_251 = arith.constant 0 : i32
      %dma_wait3A_252 = tpu.memref_slice %arg10[%add3A_161, %dma_wait3A_251] : memref<10000x64xf32, #tpu.memory_space<vmem_shared>> -> memref<125x64xf32, #tpu.memory_space<vmem_shared>>
      tpu.wait_dma2 semaphore(%run_scoped3A : memref<!tpu.dma_semaphore, #tpu.memory_space<semaphore_mem>>) src(%arg13 : memref<125x64xf32, #tpu.memory_space<vmem>>) dst(%dma_wait3A_252 : memref<125x64xf32, #tpu.memory_space<vmem_shared>>)
      tpu.yield
    }) : () -> ()
    %mul3A_162 = arith.constant 1280 : i32
    %mul3A_163 = arith.muli %add3A_141, %mul3A_162 : i32
    %mul3A_164 = arith.constant 80 : i32
    %mul3A_165 = arith.muli %arg1, %mul3A_164 : i32
    %add3A_166 = arith.addi %mul3A_163, %mul3A_165 : i32
    "tpu.region"() ({
      %run_scoped3A = tpu.sem_alloc : memref<!tpu.dma_semaphore, #tpu.memory_space<semaphore_mem>>
      %dma_start3A_245 = arith.constant 0 : i32
      %dma_start3A_246 = tpu.memref_slice %arg3[%add3A_166, %dma_start3A_245] : memref<5120x125xi32, #tpu.memory_space<hbm>> -> memref<80x125xi32, #tpu.memory_space<hbm>>
      %dma_start3A_247 = arith.constant 0 : i32
      %dma_start3A_248 = tpu.memref_slice %arg3[%add3A_166, %dma_start3A_247] : memref<5120x125xi32, #tpu.memory_space<hbm>> -> memref<80x125xi32, #tpu.memory_space<hbm>>
      tpu.enqueue_dma source(%dma_start3A_248 : memref<80x125xi32, #tpu.memory_space<hbm>>) target(%arg14 : memref<80x125xi32, #tpu.memory_space<vmem>>) target_semaphore(%run_scoped3A : memref<!tpu.dma_semaphore, #tpu.memory_space<semaphore_mem>>)
      %dma_wait3A_249 = arith.constant 0 : i32
      %dma_wait3A_250 = tpu.memref_slice %arg3[%add3A_166, %dma_wait3A_249] : memref<5120x125xi32, #tpu.memory_space<hbm>> -> memref<80x125xi32, #tpu.memory_space<hbm>>
      %dma_wait3A_251 = arith.constant 0 : i32
      %dma_wait3A_252 = tpu.memref_slice %arg3[%add3A_166, %dma_wait3A_251] : memref<5120x125xi32, #tpu.memory_space<hbm>> -> memref<80x125xi32, #tpu.memory_space<hbm>>
      tpu.wait_dma2 semaphore(%run_scoped3A : memref<!tpu.dma_semaphore, #tpu.memory_space<semaphore_mem>>) src(%dma_wait3A_252 : memref<80x125xi32, #tpu.memory_space<hbm>>) dst(%arg14 : memref<80x125xi32, #tpu.memory_space<vmem>>)
      tpu.yield
    }) : () -> ()
    %barrier3A_167 = arith.constant 0 : index
    tpu.barrier barrier_id(%barrier3A_167)
    %dma_start3A_168 = arith.constant 0 : i32
    %dma_start3A_169 = arith.constant 0 : i32
    %dma_start3A_170 = tpu.memref_slice %arg14[%dma_start3A_168, %dma_start3A_169] : memref<80x125xi32, #tpu.memory_space<vmem>> -> memref<1x125xi32, #tpu.memory_space<vmem>>
    %dma_start3A_171 = tpu.memref_squeeze %dma_start3A_170 : memref<1x125xi32, #tpu.memory_space<vmem>> -> memref<125xi32, #tpu.memory_space<vmem>>
    %dma_start3A_172 = arith.constant 0 : i32
    %dma_start3A_173 = arith.constant 0 : i32
    %dma_start3A_174 = tpu.memref_slice %arg2[%dma_start3A_172, %dma_start3A_173] : memref<40000x64xf32, #tpu.memory_space<hbm>> -> memref<40000x64xf32, #tpu.memory_space<hbm>>
    tpu.enqueue_indirect_dma source(%dma_start3A_174 : memref<40000x64xf32, #tpu.memory_space<hbm>>) target(%arg16 : memref<125x64xf32, #tpu.memory_space<vmem>>) offsets(%dma_start3A_171 : memref<125xi32, #tpu.memory_space<vmem>>) semaphore(%arg21 : memref<!tpu.dma_semaphore, #tpu.memory_space<semaphore_mem>>)
    %dma_start3A_175 = arith.constant 1 : i32
    %dma_start3A_176 = arith.constant 0 : i32
    %dma_start3A_177 = tpu.memref_slice %arg14[%dma_start3A_175, %dma_start3A_176] : memref<80x125xi32, #tpu.memory_space<vmem>> -> memref<1x125xi32, #tpu.memory_space<vmem>>
    %dma_start3A_178 = tpu.memref_squeeze %dma_start3A_177 : memref<1x125xi32, #tpu.memory_space<vmem>> -> memref<125xi32, #tpu.memory_space<vmem>>
    %dma_start3A_179 = arith.constant 0 : i32
    %dma_start3A_180 = arith.constant 0 : i32
    %dma_start3A_181 = tpu.memref_slice %arg2[%dma_start3A_179, %dma_start3A_180] : memref<40000x64xf32, #tpu.memory_space<hbm>> -> memref<40000x64xf32, #tpu.memory_space<hbm>>
    tpu.enqueue_indirect_dma source(%dma_start3A_181 : memref<40000x64xf32, #tpu.memory_space<hbm>>) target(%arg17 : memref<125x64xf32, #tpu.memory_space<vmem>>) offsets(%dma_start3A_178 : memref<125xi32, #tpu.memory_space<vmem>>) semaphore(%arg22 : memref<!tpu.dma_semaphore, #tpu.memory_space<semaphore_mem>>)
    %dma_start3A_182 = arith.constant 2 : i32
    %dma_start3A_183 = arith.constant 0 : i32
    %dma_start3A_184 = tpu.memref_slice %arg14[%dma_start3A_182, %dma_start3A_183] : memref<80x125xi32, #tpu.memory_space<vmem>> -> memref<1x125xi32, #tpu.memory_space<vmem>>
    %dma_start3A_185 = tpu.memref_squeeze %dma_start3A_184 : memref<1x125xi32, #tpu.memory_space<vmem>> -> memref<125xi32, #tpu.memory_space<vmem>>
    %dma_start3A_186 = arith.constant 0 : i32
    %dma_start3A_187 = arith.constant 0 : i32
    %dma_start3A_188 = tpu.memref_slice %arg2[%dma_start3A_186, %dma_start3A_187] : memref<40000x64xf32, #tpu.memory_space<hbm>> -> memref<40000x64xf32, #tpu.memory_space<hbm>>
    tpu.enqueue_indirect_dma source(%dma_start3A_188 : memref<40000x64xf32, #tpu.memory_space<hbm>>) target(%arg18 : memref<125x64xf32, #tpu.memory_space<vmem>>) offsets(%dma_start3A_185 : memref<125xi32, #tpu.memory_space<vmem>>) semaphore(%arg23 : memref<!tpu.dma_semaphore, #tpu.memory_space<semaphore_mem>>)
    %dma_start3A_189 = arith.constant 3 : i32
    %dma_start3A_190 = arith.constant 0 : i32
    %dma_start3A_191 = tpu.memref_slice %arg14[%dma_start3A_189, %dma_start3A_190] : memref<80x125xi32, #tpu.memory_space<vmem>> -> memref<1x125xi32, #tpu.memory_space<vmem>>
    %dma_start3A_192 = tpu.memref_squeeze %dma_start3A_191 : memref<1x125xi32, #tpu.memory_space<vmem>> -> memref<125xi32, #tpu.memory_space<vmem>>
    %dma_start3A_193 = arith.constant 0 : i32
    %dma_start3A_194 = arith.constant 0 : i32
    %dma_start3A_195 = tpu.memref_slice %arg2[%dma_start3A_193, %dma_start3A_194] : memref<40000x64xf32, #tpu.memory_space<hbm>> -> memref<40000x64xf32, #tpu.memory_space<hbm>>
    tpu.enqueue_indirect_dma source(%dma_start3A_195 : memref<40000x64xf32, #tpu.memory_space<hbm>>) target(%arg19 : memref<125x64xf32, #tpu.memory_space<vmem>>) offsets(%dma_start3A_192 : memref<125xi32, #tpu.memory_space<vmem>>) semaphore(%arg24 : memref<!tpu.dma_semaphore, #tpu.memory_space<semaphore_mem>>)
    %scan3A_196 = arith.constant 0 : i32
    %scan3A_197 = arith.constant 0 : i32
    %scan3A_198 = arith.constant 16 : i32
    %scan3A_199 = arith.addi %scan3A_197, %scan3A_198 : i32
    %scan3A_200 = arith.constant 1 : i32
    scf.for %scan3A_245 = %scan3A_197 to %scan3A_199 step %scan3A_200  : i32 {
      %mul3A_246 = arith.constant 5 : i32
      %mul3A_247 = arith.muli %scan3A_245, %mul3A_246 : i32
      %add3A_248 = arith.constant 0 : i32
      %add3A_249 = arith.addi %mul3A_247, %add3A_248 : i32
      %dma_wait3A_250 = arith.constant 0 : i32
      %dma_wait3A_251 = tpu.memref_slice %arg14[%add3A_249, %dma_wait3A_250] : memref<80x125xi32, #tpu.memory_space<vmem>> -> memref<1x125xi32, #tpu.memory_space<vmem>>
      %dma_wait3A_252 = tpu.memref_squeeze %dma_wait3A_251 : memref<1x125xi32, #tpu.memory_space<vmem>> -> memref<125xi32, #tpu.memory_space<vmem>>
      %dma_wait3A_253 = arith.constant 0 : i32
      %dma_wait3A_254 = arith.constant 0 : i32
      %dma_wait3A_255 = tpu.memref_slice %arg2[%dma_wait3A_253, %dma_wait3A_254] : memref<40000x64xf32, #tpu.memory_space<hbm>> -> memref<40000x64xf32, #tpu.memory_space<hbm>>
      tpu.wait_indirect_dma semaphore(%arg21 : memref<!tpu.dma_semaphore, #tpu.memory_space<semaphore_mem>>) src(%dma_wait3A_255 : memref<40000x64xf32, #tpu.memory_space<hbm>>) dst(%arg16 : memref<125x64xf32, #tpu.memory_space<vmem>>)
      %dma_start3A_256 = arith.constant 0 : i32
      %dma_start3A_257 = tpu.memref_slice %arg15[%add3A_249, %dma_start3A_256] : memref<80x125xi32, #tpu.memory_space<vmem>> -> memref<1x125xi32, #tpu.memory_space<vmem>>
      %dma_start3A_258 = tpu.memref_squeeze %dma_start3A_257 : memref<1x125xi32, #tpu.memory_space<vmem>> -> memref<125xi32, #tpu.memory_space<vmem>>
      %dma_start3A_259 = arith.constant 0 : i32
      %dma_start3A_260 = arith.constant 0 : i32
      %dma_start3A_261 = tpu.memref_slice %arg10[%dma_start3A_259, %dma_start3A_260] : memref<10000x64xf32, #tpu.memory_space<vmem_shared>> -> memref<10000x64xf32, #tpu.memory_space<vmem_shared>>
      tpu.enqueue_indirect_dma source(%arg16 : memref<125x64xf32, #tpu.memory_space<vmem>>) target(%dma_start3A_261 : memref<10000x64xf32, #tpu.memory_space<vmem_shared>>) offsets(%dma_start3A_258 : memref<125xi32, #tpu.memory_space<vmem>>) semaphore(%arg26 : memref<!tpu.dma_semaphore, #tpu.memory_space<semaphore_mem>>) {add = true}
      %add3A_262 = arith.constant 5 : i32
      %add3A_263 = arith.addi %add3A_249, %add3A_262 : i32
      %sub3A = arith.constant 1 : i32
      %sub3A_264 = arith.subi %add3A_263, %sub3A : i32
      %lt3A = arith.constant 80 : i32
      %lt3A_265 = arith.cmpi slt, %sub3A_264, %lt3A : i32
      %ge3A = arith.constant 1 : i32
      %ge3A_266 = arith.cmpi sge, %add3A_249, %ge3A : i32
      %and3A = arith.andi %lt3A_265, %ge3A_266 : i1
      %convert_element_type3A_267 = arith.extui %and3A : i1 to i32
      %cond3A_268 = arith.constant 0 : i32
      %cond3A_269 = arith.cmpi ne, %convert_element_type3A_267, %cond3A_268 : i32
      scf.if %cond3A_269 {
        %sub3A_375 = arith.constant 1 : i32
        %sub3A_376 = arith.subi %add3A_249, %sub3A_375 : i32
        %dma_wait3A_377 = arith.constant 0 : i32
        %dma_wait3A_378 = tpu.memref_slice %arg15[%sub3A_376, %dma_wait3A_377] : memref<80x125xi32, #tpu.memory_space<vmem>> -> memref<1x125xi32, #tpu.memory_space<vmem>>
        %dma_wait3A_379 = tpu.memref_squeeze %dma_wait3A_378 : memref<1x125xi32, #tpu.memory_space<vmem>> -> memref<125xi32, #tpu.memory_space<vmem>>
        %dma_wait3A_380 = arith.constant 0 : i32
        %dma_wait3A_381 = arith.constant 0 : i32
        %dma_wait3A_382 = tpu.memref_slice %arg10[%dma_wait3A_380, %dma_wait3A_381] : memref<10000x64xf32, #tpu.memory_space<vmem_shared>> -> memref<10000x64xf32, #tpu.memory_space<vmem_shared>>
        tpu.wait_indirect_dma semaphore(%arg30 : memref<!tpu.dma_semaphore, #tpu.memory_space<semaphore_mem>>) src(%arg20 : memref<125x64xf32, #tpu.memory_space<vmem>>) dst(%dma_wait3A_382 : memref<10000x64xf32, #tpu.memory_space<vmem_shared>>)
        %dma_start3A_383 = arith.constant 0 : i32
        %dma_start3A_384 = tpu.memref_slice %arg14[%sub3A_264, %dma_start3A_383] : memref<80x125xi32, #tpu.memory_space<vmem>> -> memref<1x125xi32, #tpu.memory_space<vmem>>
        %dma_start3A_385 = tpu.memref_squeeze %dma_start3A_384 : memref<1x125xi32, #tpu.memory_space<vmem>> -> memref<125xi32, #tpu.memory_space<vmem>>
        %dma_start3A_386 = arith.constant 0 : i32
        %dma_start3A_387 = arith.constant 0 : i32
        %dma_start3A_388 = tpu.memref_slice %arg2[%dma_start3A_386, %dma_start3A_387] : memref<40000x64xf32, #tpu.memory_space<hbm>> -> memref<40000x64xf32, #tpu.memory_space<hbm>>
        tpu.enqueue_indirect_dma source(%dma_start3A_388 : memref<40000x64xf32, #tpu.memory_space<hbm>>) target(%arg20 : memref<125x64xf32, #tpu.memory_space<vmem>>) offsets(%dma_start3A_385 : memref<125xi32, #tpu.memory_space<vmem>>) semaphore(%arg25 : memref<!tpu.dma_semaphore, #tpu.memory_space<semaphore_mem>>)
      } else {
      }
      %eq3A_270 = arith.constant 0 : i32
      %eq3A_271 = arith.cmpi eq, %add3A_249, %eq3A_270 : i32
      %convert_element_type3A_272 = arith.extui %eq3A_271 : i1 to i32
      %cond3A_273 = arith.constant 0 : i32
      %cond3A_274 = arith.cmpi ne, %convert_element_type3A_272, %cond3A_273 : i32
      scf.if %cond3A_274 {
        %dma_start3A_375 = arith.constant 0 : i32
        %dma_start3A_376 = tpu.memref_slice %arg14[%sub3A_264, %dma_start3A_375] : memref<80x125xi32, #tpu.memory_space<vmem>> -> memref<1x125xi32, #tpu.memory_space<vmem>>
        %dma_start3A_377 = tpu.memref_squeeze %dma_start3A_376 : memref<1x125xi32, #tpu.memory_space<vmem>> -> memref<125xi32, #tpu.memory_space<vmem>>
        %dma_start3A_378 = arith.constant 0 : i32
        %dma_start3A_379 = arith.constant 0 : i32
        %dma_start3A_380 = tpu.memref_slice %arg2[%dma_start3A_378, %dma_start3A_379] : memref<40000x64xf32, #tpu.memory_space<hbm>> -> memref<40000x64xf32, #tpu.memory_space<hbm>>
        tpu.enqueue_indirect_dma source(%dma_start3A_380 : memref<40000x64xf32, #tpu.memory_space<hbm>>) target(%arg20 : memref<125x64xf32, #tpu.memory_space<vmem>>) offsets(%dma_start3A_377 : memref<125xi32, #tpu.memory_space<vmem>>) semaphore(%arg25 : memref<!tpu.dma_semaphore, #tpu.memory_space<semaphore_mem>>)
      } else {
      }
      %mul3A_275 = arith.constant 5 : i32
      %mul3A_276 = arith.muli %scan3A_245, %mul3A_275 : i32
      %add3A_277 = arith.constant 1 : i32
      %add3A_278 = arith.addi %mul3A_276, %add3A_277 : i32
      %dma_wait3A_279 = arith.constant 0 : i32
      %dma_wait3A_280 = tpu.memref_slice %arg14[%add3A_278, %dma_wait3A_279] : memref<80x125xi32, #tpu.memory_space<vmem>> -> memref<1x125xi32, #tpu.memory_space<vmem>>
      %dma_wait3A_281 = tpu.memref_squeeze %dma_wait3A_280 : memref<1x125xi32, #tpu.memory_space<vmem>> -> memref<125xi32, #tpu.memory_space<vmem>>
      %dma_wait3A_282 = arith.constant 0 : i32
      %dma_wait3A_283 = arith.constant 0 : i32
      %dma_wait3A_284 = tpu.memref_slice %arg2[%dma_wait3A_282, %dma_wait3A_283] : memref<40000x64xf32, #tpu.memory_space<hbm>> -> memref<40000x64xf32, #tpu.memory_space<hbm>>
      tpu.wait_indirect_dma semaphore(%arg22 : memref<!tpu.dma_semaphore, #tpu.memory_space<semaphore_mem>>) src(%dma_wait3A_284 : memref<40000x64xf32, #tpu.memory_space<hbm>>) dst(%arg17 : memref<125x64xf32, #tpu.memory_space<vmem>>)
      %dma_start3A_285 = arith.constant 0 : i32
      %dma_start3A_286 = tpu.memref_slice %arg15[%add3A_278, %dma_start3A_285] : memref<80x125xi32, #tpu.memory_space<vmem>> -> memref<1x125xi32, #tpu.memory_space<vmem>>
      %dma_start3A_287 = tpu.memref_squeeze %dma_start3A_286 : memref<1x125xi32, #tpu.memory_space<vmem>> -> memref<125xi32, #tpu.memory_space<vmem>>
      %dma_start3A_288 = arith.constant 0 : i32
      %dma_start3A_289 = arith.constant 0 : i32
      %dma_start3A_290 = tpu.memref_slice %arg10[%dma_start3A_288, %dma_start3A_289] : memref<10000x64xf32, #tpu.memory_space<vmem_shared>> -> memref<10000x64xf32, #tpu.memory_space<vmem_shared>>
      tpu.enqueue_indirect_dma source(%arg17 : memref<125x64xf32, #tpu.memory_space<vmem>>) target(%dma_start3A_290 : memref<10000x64xf32, #tpu.memory_space<vmem_shared>>) offsets(%dma_start3A_287 : memref<125xi32, #tpu.memory_space<vmem>>) semaphore(%arg27 : memref<!tpu.dma_semaphore, #tpu.memory_space<semaphore_mem>>) {add = true}
      %add3A_291 = arith.constant 5 : i32
      %add3A_292 = arith.addi %add3A_278, %add3A_291 : i32
      %sub3A_293 = arith.constant 1 : i32
      %sub3A_294 = arith.subi %add3A_292, %sub3A_293 : i32
      %lt3A_295 = arith.constant 80 : i32
      %lt3A_296 = arith.cmpi slt, %sub3A_294, %lt3A_295 : i32
      %convert_element_type3A_297 = arith.extui %lt3A_296 : i1 to i32
      %cond3A_298 = arith.constant 0 : i32
      %cond3A_299 = arith.cmpi ne, %convert_element_type3A_297, %cond3A_298 : i32
      scf.if %cond3A_299 {
        %sub3A_375 = arith.constant 1 : i32
        %sub3A_376 = arith.subi %add3A_278, %sub3A_375 : i32
        %dma_wait3A_377 = arith.constant 0 : i32
        %dma_wait3A_378 = tpu.memref_slice %arg15[%sub3A_376, %dma_wait3A_377] : memref<80x125xi32, #tpu.memory_space<vmem>> -> memref<1x125xi32, #tpu.memory_space<vmem>>
        %dma_wait3A_379 = tpu.memref_squeeze %dma_wait3A_378 : memref<1x125xi32, #tpu.memory_space<vmem>> -> memref<125xi32, #tpu.memory_space<vmem>>
        %dma_wait3A_380 = arith.constant 0 : i32
        %dma_wait3A_381 = arith.constant 0 : i32
        %dma_wait3A_382 = tpu.memref_slice %arg10[%dma_wait3A_380, %dma_wait3A_381] : memref<10000x64xf32, #tpu.memory_space<vmem_shared>> -> memref<10000x64xf32, #tpu.memory_space<vmem_shared>>
        tpu.wait_indirect_dma semaphore(%arg26 : memref<!tpu.dma_semaphore, #tpu.memory_space<semaphore_mem>>) src(%arg16 : memref<125x64xf32, #tpu.memory_space<vmem>>) dst(%dma_wait3A_382 : memref<10000x64xf32, #tpu.memory_space<vmem_shared>>)
        %dma_start3A_383 = arith.constant 0 : i32
        %dma_start3A_384 = tpu.memref_slice %arg14[%sub3A_294, %dma_start3A_383] : memref<80x125xi32, #tpu.memory_space<vmem>> -> memref<1x125xi32, #tpu.memory_space<vmem>>
        %dma_start3A_385 = tpu.memref_squeeze %dma_start3A_384 : memref<1x125xi32, #tpu.memory_space<vmem>> -> memref<125xi32, #tpu.memory_space<vmem>>
        %dma_start3A_386 = arith.constant 0 : i32
        %dma_start3A_387 = arith.constant 0 : i32
        %dma_start3A_388 = tpu.memref_slice %arg2[%dma_start3A_386, %dma_start3A_387] : memref<40000x64xf32, #tpu.memory_space<hbm>> -> memref<40000x64xf32, #tpu.memory_space<hbm>>
        tpu.enqueue_indirect_dma source(%dma_start3A_388 : memref<40000x64xf32, #tpu.memory_space<hbm>>) target(%arg16 : memref<125x64xf32, #tpu.memory_space<vmem>>) offsets(%dma_start3A_385 : memref<125xi32, #tpu.memory_space<vmem>>) semaphore(%arg21 : memref<!tpu.dma_semaphore, #tpu.memory_space<semaphore_mem>>)
      } else {
      }
      %mul3A_300 = arith.constant 5 : i32
      %mul3A_301 = arith.muli %scan3A_245, %mul3A_300 : i32
      %add3A_302 = arith.constant 2 : i32
      %add3A_303 = arith.addi %mul3A_301, %add3A_302 : i32
      %dma_wait3A_304 = arith.constant 0 : i32
      %dma_wait3A_305 = tpu.memref_slice %arg14[%add3A_303, %dma_wait3A_304] : memref<80x125xi32, #tpu.memory_space<vmem>> -> memref<1x125xi32, #tpu.memory_space<vmem>>
      %dma_wait3A_306 = tpu.memref_squeeze %dma_wait3A_305 : memref<1x125xi32, #tpu.memory_space<vmem>> -> memref<125xi32, #tpu.memory_space<vmem>>
      %dma_wait3A_307 = arith.constant 0 : i32
      %dma_wait3A_308 = arith.constant 0 : i32
      %dma_wait3A_309 = tpu.memref_slice %arg2[%dma_wait3A_307, %dma_wait3A_308] : memref<40000x64xf32, #tpu.memory_space<hbm>> -> memref<40000x64xf32, #tpu.memory_space<hbm>>
      tpu.wait_indirect_dma semaphore(%arg23 : memref<!tpu.dma_semaphore, #tpu.memory_space<semaphore_mem>>) src(%dma_wait3A_309 : memref<40000x64xf32, #tpu.memory_space<hbm>>) dst(%arg18 : memref<125x64xf32, #tpu.memory_space<vmem>>)
      %dma_start3A_310 = arith.constant 0 : i32
      %dma_start3A_311 = tpu.memref_slice %arg15[%add3A_303, %dma_start3A_310] : memref<80x125xi32, #tpu.memory_space<vmem>> -> memref<1x125xi32, #tpu.memory_space<vmem>>
      %dma_start3A_312 = tpu.memref_squeeze %dma_start3A_311 : memref<1x125xi32, #tpu.memory_space<vmem>> -> memref<125xi32, #tpu.memory_space<vmem>>
      %dma_start3A_313 = arith.constant 0 : i32
      %dma_start3A_314 = arith.constant 0 : i32
      %dma_start3A_315 = tpu.memref_slice %arg10[%dma_start3A_313, %dma_start3A_314] : memref<10000x64xf32, #tpu.memory_space<vmem_shared>> -> memref<10000x64xf32, #tpu.memory_space<vmem_shared>>
      tpu.enqueue_indirect_dma source(%arg18 : memref<125x64xf32, #tpu.memory_space<vmem>>) target(%dma_start3A_315 : memref<10000x64xf32, #tpu.memory_space<vmem_shared>>) offsets(%dma_start3A_312 : memref<125xi32, #tpu.memory_space<vmem>>) semaphore(%arg28 : memref<!tpu.dma_semaphore, #tpu.memory_space<semaphore_mem>>) {add = true}
      %add3A_316 = arith.constant 5 : i32
      %add3A_317 = arith.addi %add3A_303, %add3A_316 : i32
      %sub3A_318 = arith.constant 1 : i32
      %sub3A_319 = arith.subi %add3A_317, %sub3A_318 : i32
      %lt3A_320 = arith.constant 80 : i32
      %lt3A_321 = arith.cmpi slt, %sub3A_319, %lt3A_320 : i32
      %convert_element_type3A_322 = arith.extui %lt3A_321 : i1 to i32
      %cond3A_323 = arith.constant 0 : i32
      %cond3A_324 = arith.cmpi ne, %convert_element_type3A_322, %cond3A_323 : i32
      scf.if %cond3A_324 {
        %sub3A_375 = arith.constant 1 : i32
        %sub3A_376 = arith.subi %add3A_303, %sub3A_375 : i32
        %dma_wait3A_377 = arith.constant 0 : i32
        %dma_wait3A_378 = tpu.memref_slice %arg15[%sub3A_376, %dma_wait3A_377] : memref<80x125xi32, #tpu.memory_space<vmem>> -> memref<1x125xi32, #tpu.memory_space<vmem>>
        %dma_wait3A_379 = tpu.memref_squeeze %dma_wait3A_378 : memref<1x125xi32, #tpu.memory_space<vmem>> -> memref<125xi32, #tpu.memory_space<vmem>>
        %dma_wait3A_380 = arith.constant 0 : i32
        %dma_wait3A_381 = arith.constant 0 : i32
        %dma_wait3A_382 = tpu.memref_slice %arg10[%dma_wait3A_380, %dma_wait3A_381] : memref<10000x64xf32, #tpu.memory_space<vmem_shared>> -> memref<10000x64xf32, #tpu.memory_space<vmem_shared>>
        tpu.wait_indirect_dma semaphore(%arg27 : memref<!tpu.dma_semaphore, #tpu.memory_space<semaphore_mem>>) src(%arg17 : memref<125x64xf32, #tpu.memory_space<vmem>>) dst(%dma_wait3A_382 : memref<10000x64xf32, #tpu.memory_space<vmem_shared>>)
        %dma_start3A_383 = arith.constant 0 : i32
        %dma_start3A_384 = tpu.memref_slice %arg14[%sub3A_319, %dma_start3A_383] : memref<80x125xi32, #tpu.memory_space<vmem>> -> memref<1x125xi32, #tpu.memory_space<vmem>>
        %dma_start3A_385 = tpu.memref_squeeze %dma_start3A_384 : memref<1x125xi32, #tpu.memory_space<vmem>> -> memref<125xi32, #tpu.memory_space<vmem>>
        %dma_start3A_386 = arith.constant 0 : i32
        %dma_start3A_387 = arith.constant 0 : i32
        %dma_start3A_388 = tpu.memref_slice %arg2[%dma_start3A_386, %dma_start3A_387] : memref<40000x64xf32, #tpu.memory_space<hbm>> -> memref<40000x64xf32, #tpu.memory_space<hbm>>
        tpu.enqueue_indirect_dma source(%dma_start3A_388 : memref<40000x64xf32, #tpu.memory_space<hbm>>) target(%arg17 : memref<125x64xf32, #tpu.memory_space<vmem>>) offsets(%dma_start3A_385 : memref<125xi32, #tpu.memory_space<vmem>>) semaphore(%arg22 : memref<!tpu.dma_semaphore, #tpu.memory_space<semaphore_mem>>)
      } else {
      }
      %mul3A_325 = arith.constant 5 : i32
      %mul3A_326 = arith.muli %scan3A_245, %mul3A_325 : i32
      %add3A_327 = arith.constant 3 : i32
      %add3A_328 = arith.addi %mul3A_326, %add3A_327 : i32
      %dma_wait3A_329 = arith.constant 0 : i32
      %dma_wait3A_330 = tpu.memref_slice %arg14[%add3A_328, %dma_wait3A_329] : memref<80x125xi32, #tpu.memory_space<vmem>> -> memref<1x125xi32, #tpu.memory_space<vmem>>
      %dma_wait3A_331 = tpu.memref_squeeze %dma_wait3A_330 : memref<1x125xi32, #tpu.memory_space<vmem>> -> memref<125xi32, #tpu.memory_space<vmem>>
      %dma_wait3A_332 = arith.constant 0 : i32
      %dma_wait3A_333 = arith.constant 0 : i32
      %dma_wait3A_334 = tpu.memref_slice %arg2[%dma_wait3A_332, %dma_wait3A_333] : memref<40000x64xf32, #tpu.memory_space<hbm>> -> memref<40000x64xf32, #tpu.memory_space<hbm>>
      tpu.wait_indirect_dma semaphore(%arg24 : memref<!tpu.dma_semaphore, #tpu.memory_space<semaphore_mem>>) src(%dma_wait3A_334 : memref<40000x64xf32, #tpu.memory_space<hbm>>) dst(%arg19 : memref<125x64xf32, #tpu.memory_space<vmem>>)
      %dma_start3A_335 = arith.constant 0 : i32
      %dma_start3A_336 = tpu.memref_slice %arg15[%add3A_328, %dma_start3A_335] : memref<80x125xi32, #tpu.memory_space<vmem>> -> memref<1x125xi32, #tpu.memory_space<vmem>>
      %dma_start3A_337 = tpu.memref_squeeze %dma_start3A_336 : memref<1x125xi32, #tpu.memory_space<vmem>> -> memref<125xi32, #tpu.memory_space<vmem>>
      %dma_start3A_338 = arith.constant 0 : i32
      %dma_start3A_339 = arith.constant 0 : i32
      %dma_start3A_340 = tpu.memref_slice %arg10[%dma_start3A_338, %dma_start3A_339] : memref<10000x64xf32, #tpu.memory_space<vmem_shared>> -> memref<10000x64xf32, #tpu.memory_space<vmem_shared>>
      tpu.enqueue_indirect_dma source(%arg19 : memref<125x64xf32, #tpu.memory_space<vmem>>) target(%dma_start3A_340 : memref<10000x64xf32, #tpu.memory_space<vmem_shared>>) offsets(%dma_start3A_337 : memref<125xi32, #tpu.memory_space<vmem>>) semaphore(%arg29 : memref<!tpu.dma_semaphore, #tpu.memory_space<semaphore_mem>>) {add = true}
      %add3A_341 = arith.constant 5 : i32
      %add3A_342 = arith.addi %add3A_328, %add3A_341 : i32
      %sub3A_343 = arith.constant 1 : i32
      %sub3A_344 = arith.subi %add3A_342, %sub3A_343 : i32
      %lt3A_345 = arith.constant 80 : i32
      %lt3A_346 = arith.cmpi slt, %sub3A_344, %lt3A_345 : i32
      %convert_element_type3A_347 = arith.extui %lt3A_346 : i1 to i32
      %cond3A_348 = arith.constant 0 : i32
      %cond3A_349 = arith.cmpi ne, %convert_element_type3A_347, %cond3A_348 : i32
      scf.if %cond3A_349 {
        %sub3A_375 = arith.constant 1 : i32
        %sub3A_376 = arith.subi %add3A_328, %sub3A_375 : i32
        %dma_wait3A_377 = arith.constant 0 : i32
        %dma_wait3A_378 = tpu.memref_slice %arg15[%sub3A_376, %dma_wait3A_377] : memref<80x125xi32, #tpu.memory_space<vmem>> -> memref<1x125xi32, #tpu.memory_space<vmem>>
        %dma_wait3A_379 = tpu.memref_squeeze %dma_wait3A_378 : memref<1x125xi32, #tpu.memory_space<vmem>> -> memref<125xi32, #tpu.memory_space<vmem>>
        %dma_wait3A_380 = arith.constant 0 : i32
        %dma_wait3A_381 = arith.constant 0 : i32
        %dma_wait3A_382 = tpu.memref_slice %arg10[%dma_wait3A_380, %dma_wait3A_381] : memref<10000x64xf32, #tpu.memory_space<vmem_shared>> -> memref<10000x64xf32, #tpu.memory_space<vmem_shared>>
        tpu.wait_indirect_dma semaphore(%arg28 : memref<!tpu.dma_semaphore, #tpu.memory_space<semaphore_mem>>) src(%arg18 : memref<125x64xf32, #tpu.memory_space<vmem>>) dst(%dma_wait3A_382 : memref<10000x64xf32, #tpu.memory_space<vmem_shared>>)
        %dma_start3A_383 = arith.constant 0 : i32
        %dma_start3A_384 = tpu.memref_slice %arg14[%sub3A_344, %dma_start3A_383] : memref<80x125xi32, #tpu.memory_space<vmem>> -> memref<1x125xi32, #tpu.memory_space<vmem>>
        %dma_start3A_385 = tpu.memref_squeeze %dma_start3A_384 : memref<1x125xi32, #tpu.memory_space<vmem>> -> memref<125xi32, #tpu.memory_space<vmem>>
        %dma_start3A_386 = arith.constant 0 : i32
        %dma_start3A_387 = arith.constant 0 : i32
        %dma_start3A_388 = tpu.memref_slice %arg2[%dma_start3A_386, %dma_start3A_387] : memref<40000x64xf32, #tpu.memory_space<hbm>> -> memref<40000x64xf32, #tpu.memory_space<hbm>>
        tpu.enqueue_indirect_dma source(%dma_start3A_388 : memref<40000x64xf32, #tpu.memory_space<hbm>>) target(%arg18 : memref<125x64xf32, #tpu.memory_space<vmem>>) offsets(%dma_start3A_385 : memref<125xi32, #tpu.memory_space<vmem>>) semaphore(%arg23 : memref<!tpu.dma_semaphore, #tpu.memory_space<semaphore_mem>>)
      } else {
      }
      %mul3A_350 = arith.constant 5 : i32
      %mul3A_351 = arith.muli %scan3A_245, %mul3A_350 : i32
      %add3A_352 = arith.constant 4 : i32
      %add3A_353 = arith.addi %mul3A_351, %add3A_352 : i32
      %dma_wait3A_354 = arith.constant 0 : i32
      %dma_wait3A_355 = tpu.memref_slice %arg14[%add3A_353, %dma_wait3A_354] : memref<80x125xi32, #tpu.memory_space<vmem>> -> memref<1x125xi32, #tpu.memory_space<vmem>>
      %dma_wait3A_356 = tpu.memref_squeeze %dma_wait3A_355 : memref<1x125xi32, #tpu.memory_space<vmem>> -> memref<125xi32, #tpu.memory_space<vmem>>
      %dma_wait3A_357 = arith.constant 0 : i32
      %dma_wait3A_358 = arith.constant 0 : i32
      %dma_wait3A_359 = tpu.memref_slice %arg2[%dma_wait3A_357, %dma_wait3A_358] : memref<40000x64xf32, #tpu.memory_space<hbm>> -> memref<40000x64xf32, #tpu.memory_space<hbm>>
      tpu.wait_indirect_dma semaphore(%arg25 : memref<!tpu.dma_semaphore, #tpu.memory_space<semaphore_mem>>) src(%dma_wait3A_359 : memref<40000x64xf32, #tpu.memory_space<hbm>>) dst(%arg20 : memref<125x64xf32, #tpu.memory_space<vmem>>)
      %dma_start3A_360 = arith.constant 0 : i32
      %dma_start3A_361 = tpu.memref_slice %arg15[%add3A_353, %dma_start3A_360] : memref<80x125xi32, #tpu.memory_space<vmem>> -> memref<1x125xi32, #tpu.memory_space<vmem>>
      %dma_start3A_362 = tpu.memref_squeeze %dma_start3A_361 : memref<1x125xi32, #tpu.memory_space<vmem>> -> memref<125xi32, #tpu.memory_space<vmem>>
      %dma_start3A_363 = arith.constant 0 : i32
      %dma_start3A_364 = arith.constant 0 : i32
      %dma_start3A_365 = tpu.memref_slice %arg10[%dma_start3A_363, %dma_start3A_364] : memref<10000x64xf32, #tpu.memory_space<vmem_shared>> -> memref<10000x64xf32, #tpu.memory_space<vmem_shared>>
      tpu.enqueue_indirect_dma source(%arg20 : memref<125x64xf32, #tpu.memory_space<vmem>>) target(%dma_start3A_365 : memref<10000x64xf32, #tpu.memory_space<vmem_shared>>) offsets(%dma_start3A_362 : memref<125xi32, #tpu.memory_space<vmem>>) semaphore(%arg30 : memref<!tpu.dma_semaphore, #tpu.memory_space<semaphore_mem>>) {add = true}
      %add3A_366 = arith.constant 5 : i32
      %add3A_367 = arith.addi %add3A_353, %add3A_366 : i32
      %sub3A_368 = arith.constant 1 : i32
      %sub3A_369 = arith.subi %add3A_367, %sub3A_368 : i32
      %lt3A_370 = arith.constant 80 : i32
      %lt3A_371 = arith.cmpi slt, %sub3A_369, %lt3A_370 : i32
      %convert_element_type3A_372 = arith.extui %lt3A_371 : i1 to i32
      %cond3A_373 = arith.constant 0 : i32
      %cond3A_374 = arith.cmpi ne, %convert_element_type3A_372, %cond3A_373 : i32
      scf.if %cond3A_374 {
        %sub3A_375 = arith.constant 1 : i32
        %sub3A_376 = arith.subi %add3A_353, %sub3A_375 : i32
        %dma_wait3A_377 = arith.constant 0 : i32
        %dma_wait3A_378 = tpu.memref_slice %arg15[%sub3A_376, %dma_wait3A_377] : memref<80x125xi32, #tpu.memory_space<vmem>> -> memref<1x125xi32, #tpu.memory_space<vmem>>
        %dma_wait3A_379 = tpu.memref_squeeze %dma_wait3A_378 : memref<1x125xi32, #tpu.memory_space<vmem>> -> memref<125xi32, #tpu.memory_space<vmem>>
        %dma_wait3A_380 = arith.constant 0 : i32
        %dma_wait3A_381 = arith.constant 0 : i32
        %dma_wait3A_382 = tpu.memref_slice %arg10[%dma_wait3A_380, %dma_wait3A_381] : memref<10000x64xf32, #tpu.memory_space<vmem_shared>> -> memref<10000x64xf32, #tpu.memory_space<vmem_shared>>
        tpu.wait_indirect_dma semaphore(%arg29 : memref<!tpu.dma_semaphore, #tpu.memory_space<semaphore_mem>>) src(%arg19 : memref<125x64xf32, #tpu.memory_space<vmem>>) dst(%dma_wait3A_382 : memref<10000x64xf32, #tpu.memory_space<vmem_shared>>)
        %dma_start3A_383 = arith.constant 0 : i32
        %dma_start3A_384 = tpu.memref_slice %arg14[%sub3A_369, %dma_start3A_383] : memref<80x125xi32, #tpu.memory_space<vmem>> -> memref<1x125xi32, #tpu.memory_space<vmem>>
        %dma_start3A_385 = tpu.memref_squeeze %dma_start3A_384 : memref<1x125xi32, #tpu.memory_space<vmem>> -> memref<125xi32, #tpu.memory_space<vmem>>
        %dma_start3A_386 = arith.constant 0 : i32
        %dma_start3A_387 = arith.constant 0 : i32
        %dma_start3A_388 = tpu.memref_slice %arg2[%dma_start3A_386, %dma_start3A_387] : memref<40000x64xf32, #tpu.memory_space<hbm>> -> memref<40000x64xf32, #tpu.memory_space<hbm>>
        tpu.enqueue_indirect_dma source(%dma_start3A_388 : memref<40000x64xf32, #tpu.memory_space<hbm>>) target(%arg19 : memref<125x64xf32, #tpu.memory_space<vmem>>) offsets(%dma_start3A_385 : memref<125xi32, #tpu.memory_space<vmem>>) semaphore(%arg24 : memref<!tpu.dma_semaphore, #tpu.memory_space<semaphore_mem>>)
      } else {
      }
    }
    %scan3A_201 = arith.constant 16 : i32
    %dma_wait3A_202 = arith.constant 75 : i32
    %dma_wait3A_203 = arith.constant 0 : i32
    %dma_wait3A_204 = tpu.memref_slice %arg15[%dma_wait3A_202, %dma_wait3A_203] : memref<80x125xi32, #tpu.memory_space<vmem>> -> memref<1x125xi32, #tpu.memory_space<vmem>>
    %dma_wait3A_205 = tpu.memref_squeeze %dma_wait3A_204 : memref<1x125xi32, #tpu.memory_space<vmem>> -> memref<125xi32, #tpu.memory_space<vmem>>
    %dma_wait3A_206 = arith.constant 0 : i32
    %dma_wait3A_207 = arith.constant 0 : i32
    %dma_wait3A_208 = tpu.memref_slice %arg10[%dma_wait3A_206, %dma_wait3A_207] : memref<10000x64xf32, #tpu.memory_space<vmem_shared>> -> memref<10000x64xf32, #tpu.memory_space<vmem_shared>>
    tpu.wait_indirect_dma semaphore(%arg26 : memref<!tpu.dma_semaphore, #tpu.memory_space<semaphore_mem>>) src(%arg16 : memref<125x64xf32, #tpu.memory_space<vmem>>) dst(%dma_wait3A_208 : memref<10000x64xf32, #tpu.memory_space<vmem_shared>>)
    %dma_wait3A_209 = arith.constant 76 : i32
    %dma_wait3A_210 = arith.constant 0 : i32
    %dma_wait3A_211 = tpu.memref_slice %arg15[%dma_wait3A_209, %dma_wait3A_210] : memref<80x125xi32, #tpu.memory_space<vmem>> -> memref<1x125xi32, #tpu.memory_space<vmem>>
    %dma_wait3A_212 = tpu.memref_squeeze %dma_wait3A_211 : memref<1x125xi32, #tpu.memory_space<vmem>> -> memref<125xi32, #tpu.memory_space<vmem>>
    %dma_wait3A_213 = arith.constant 0 : i32
    %dma_wait3A_214 = arith.constant 0 : i32
    %dma_wait3A_215 = tpu.memref_slice %arg10[%dma_wait3A_213, %dma_wait3A_214] : memref<10000x64xf32, #tpu.memory_space<vmem_shared>> -> memref<10000x64xf32, #tpu.memory_space<vmem_shared>>
    tpu.wait_indirect_dma semaphore(%arg27 : memref<!tpu.dma_semaphore, #tpu.memory_space<semaphore_mem>>) src(%arg17 : memref<125x64xf32, #tpu.memory_space<vmem>>) dst(%dma_wait3A_215 : memref<10000x64xf32, #tpu.memory_space<vmem_shared>>)
    %dma_wait3A_216 = arith.constant 77 : i32
    %dma_wait3A_217 = arith.constant 0 : i32
    %dma_wait3A_218 = tpu.memref_slice %arg15[%dma_wait3A_216, %dma_wait3A_217] : memref<80x125xi32, #tpu.memory_space<vmem>> -> memref<1x125xi32, #tpu.memory_space<vmem>>
    %dma_wait3A_219 = tpu.memref_squeeze %dma_wait3A_218 : memref<1x125xi32, #tpu.memory_space<vmem>> -> memref<125xi32, #tpu.memory_space<vmem>>
    %dma_wait3A_220 = arith.constant 0 : i32
    %dma_wait3A_221 = arith.constant 0 : i32
    %dma_wait3A_222 = tpu.memref_slice %arg10[%dma_wait3A_220, %dma_wait3A_221] : memref<10000x64xf32, #tpu.memory_space<vmem_shared>> -> memref<10000x64xf32, #tpu.memory_space<vmem_shared>>
    tpu.wait_indirect_dma semaphore(%arg28 : memref<!tpu.dma_semaphore, #tpu.memory_space<semaphore_mem>>) src(%arg18 : memref<125x64xf32, #tpu.memory_space<vmem>>) dst(%dma_wait3A_222 : memref<10000x64xf32, #tpu.memory_space<vmem_shared>>)
    %dma_wait3A_223 = arith.constant 78 : i32
    %dma_wait3A_224 = arith.constant 0 : i32
    %dma_wait3A_225 = tpu.memref_slice %arg15[%dma_wait3A_223, %dma_wait3A_224] : memref<80x125xi32, #tpu.memory_space<vmem>> -> memref<1x125xi32, #tpu.memory_space<vmem>>
    %dma_wait3A_226 = tpu.memref_squeeze %dma_wait3A_225 : memref<1x125xi32, #tpu.memory_space<vmem>> -> memref<125xi32, #tpu.memory_space<vmem>>
    %dma_wait3A_227 = arith.constant 0 : i32
    %dma_wait3A_228 = arith.constant 0 : i32
    %dma_wait3A_229 = tpu.memref_slice %arg10[%dma_wait3A_227, %dma_wait3A_228] : memref<10000x64xf32, #tpu.memory_space<vmem_shared>> -> memref<10000x64xf32, #tpu.memory_space<vmem_shared>>
    tpu.wait_indirect_dma semaphore(%arg29 : memref<!tpu.dma_semaphore, #tpu.memory_space<semaphore_mem>>) src(%arg19 : memref<125x64xf32, #tpu.memory_space<vmem>>) dst(%dma_wait3A_229 : memref<10000x64xf32, #tpu.memory_space<vmem_shared>>)
    %dma_wait3A_230 = arith.constant 79 : i32
    %dma_wait3A_231 = arith.constant 0 : i32
    %dma_wait3A_232 = tpu.memref_slice %arg15[%dma_wait3A_230, %dma_wait3A_231] : memref<80x125xi32, #tpu.memory_space<vmem>> -> memref<1x125xi32, #tpu.memory_space<vmem>>
    %dma_wait3A_233 = tpu.memref_squeeze %dma_wait3A_232 : memref<1x125xi32, #tpu.memory_space<vmem>> -> memref<125xi32, #tpu.memory_space<vmem>>
    %dma_wait3A_234 = arith.constant 0 : i32
    %dma_wait3A_235 = arith.constant 0 : i32
    %dma_wait3A_236 = tpu.memref_slice %arg10[%dma_wait3A_234, %dma_wait3A_235] : memref<10000x64xf32, #tpu.memory_space<vmem_shared>> -> memref<10000x64xf32, #tpu.memory_space<vmem_shared>>
    tpu.wait_indirect_dma semaphore(%arg30 : memref<!tpu.dma_semaphore, #tpu.memory_space<semaphore_mem>>) src(%arg20 : memref<125x64xf32, #tpu.memory_space<vmem>>) dst(%dma_wait3A_236 : memref<10000x64xf32, #tpu.memory_space<vmem_shared>>)
    %barrier3A_237 = arith.constant 0 : index
    tpu.barrier barrier_id(%barrier3A_237)
    %mul3A_238 = arith.constant 625 : i32
    %mul3A_239 = arith.muli %arg1, %mul3A_238 : i32
    %mul3A_240 = arith.constant 10000 : i32
    %mul3A_241 = arith.muli %add3A_141, %mul3A_240 : i32
    %mul3A_242 = arith.constant 625 : i32
    %mul3A_243 = arith.muli %arg1, %mul3A_242 : i32
    %add3A_244 = arith.addi %mul3A_241, %mul3A_243 : i32
    "tpu.region"() ({
      %run_scoped3A = tpu.sem_alloc : memref<!tpu.dma_semaphore, #tpu.memory_space<semaphore_mem>>
      %dma_start3A_245 = arith.constant 0 : i32
      %dma_start3A_246 = tpu.memref_slice %arg8[%add3A_244, %dma_start3A_245] : memref<40000x64xf32, #tpu.memory_space<hbm>> -> memref<625x64xf32, #tpu.memory_space<hbm>>
      %dma_start3A_247 = arith.constant 0 : i32
      %dma_start3A_248 = tpu.memref_slice %arg10[%mul3A_239, %dma_start3A_247] : memref<10000x64xf32, #tpu.memory_space<vmem_shared>> -> memref<625x64xf32, #tpu.memory_space<vmem_shared>>
      tpu.enqueue_dma source(%dma_start3A_248 : memref<625x64xf32, #tpu.memory_space<vmem_shared>>) target(%dma_start3A_246 : memref<625x64xf32, #tpu.memory_space<hbm>>) target_semaphore(%run_scoped3A : memref<!tpu.dma_semaphore, #tpu.memory_space<semaphore_mem>>)
      %dma_wait3A_249 = arith.constant 0 : i32
      %dma_wait3A_250 = tpu.memref_slice %arg8[%add3A_244, %dma_wait3A_249] : memref<40000x64xf32, #tpu.memory_space<hbm>> -> memref<625x64xf32, #tpu.memory_space<hbm>>
      %dma_wait3A_251 = arith.constant 0 : i32
      %dma_wait3A_252 = tpu.memref_slice %arg10[%mul3A_239, %dma_wait3A_251] : memref<10000x64xf32, #tpu.memory_space<vmem_shared>> -> memref<625x64xf32, #tpu.memory_space<vmem_shared>>
      tpu.wait_dma2 semaphore(%run_scoped3A : memref<!tpu.dma_semaphore, #tpu.memory_space<semaphore_mem>>) src(%dma_wait3A_252 : memref<625x64xf32, #tpu.memory_space<vmem_shared>>) dst(%dma_wait3A_250 : memref<625x64xf32, #tpu.memory_space<hbm>>)
      tpu.yield
    }) : () -> ()
    return
  }
}

module attributes {stable_mosaic.version = 14 : i64} {
  func.func @_ft_body(%arg0: i32, %arg1: i32, %arg2: memref<4x1x2000x64xf32, #tpu.memory_space<vmem>>, %arg3: memref<2000x8xf32, #tpu.memory_space<vmem>>, %arg4: memref<1x1x2000xi32, #tpu.memory_space<vmem>>, %arg5: memref<4x64x256xf32, #tpu.memory_space<vmem>>, %arg6: memref<1x256xf32, #tpu.memory_space<vmem>>, %arg7: memref<1x256xf32, #tpu.memory_space<vmem>>, %arg8: memref<1x256xf32, #tpu.memory_space<vmem>>, %arg9: memref<1x256xf32, #tpu.memory_space<vmem>>, %arg10: memref<1x256xf32, #tpu.memory_space<vmem>>, %arg11: memref<256x256xf32, #tpu.memory_space<vmem>>, %arg12: memref<1x256xf32, #tpu.memory_space<vmem>>, %arg13: memref<1x256xf32, #tpu.memory_space<vmem>>, %arg14: memref<1x256xf32, #tpu.memory_space<vmem>>, %arg15: memref<256x256xf32, #tpu.memory_space<vmem>>, %arg16: memref<1x256xf32, #tpu.memory_space<vmem>>, %arg17: memref<1x256xf32, #tpu.memory_space<vmem>>, %arg18: memref<1x256xf32, #tpu.memory_space<vmem>>, %arg19: memref<2000x256xf32, #tpu.memory_space<vmem>>, %arg20: memref<8x256xf32, #tpu.memory_space<vmem>>, %arg21: memref<10000x256xf32, #tpu.memory_space<vmem>>, %arg22: memref<8x256xf32, #tpu.memory_space<vmem>>, %arg23: memref<8x256xf32, #tpu.memory_space<vmem>>) attributes {dimension_semantics = [#tpu.dimension_semantics<arbitrary>, #tpu.dimension_semantics<arbitrary>], iteration_bounds = array<i64: 2, 5>, scalar_prefetch = 0 : i64, scratch_operands = 3 : i64, tpu.core_type = #tpu.core_type<tc>, window_params = [{transform_indices = @transform_0, window_bounds = array<i64: 4, 1, 2000, 64>}, {transform_indices = @transform_1, window_bounds = array<i64: 2000, 8>}, {transform_indices = @transform_2, window_bounds = array<i64: 1, 1, 2000>}, {pipeline_mode = #tpu.pipeline_mode<synchronous>, transform_indices = @transform_3, window_bounds = array<i64: 4, 64, 256>}, {pipeline_mode = #tpu.pipeline_mode<synchronous>, transform_indices = @transform_4, window_bounds = array<i64: 1, 256>}, {pipeline_mode = #tpu.pipeline_mode<synchronous>, transform_indices = @transform_5, window_bounds = array<i64: 1, 256>}, {pipeline_mode = #tpu.pipeline_mode<synchronous>, transform_indices = @transform_6, window_bounds = array<i64: 1, 256>}, {pipeline_mode = #tpu.pipeline_mode<synchronous>, transform_indices = @transform_7, window_bounds = array<i64: 1, 256>}, {pipeline_mode = #tpu.pipeline_mode<synchronous>, transform_indices = @transform_8, window_bounds = array<i64: 1, 256>}, {pipeline_mode = #tpu.pipeline_mode<synchronous>, transform_indices = @transform_9, window_bounds = array<i64: 256, 256>}, {pipeline_mode = #tpu.pipeline_mode<synchronous>, transform_indices = @transform_10, window_bounds = array<i64: 1, 256>}, {pipeline_mode = #tpu.pipeline_mode<synchronous>, transform_indices = @transform_11, window_bounds = array<i64: 1, 256>}, {pipeline_mode = #tpu.pipeline_mode<synchronous>, transform_indices = @transform_12, window_bounds = array<i64: 1, 256>}, {pipeline_mode = #tpu.pipeline_mode<synchronous>, transform_indices = @transform_13, window_bounds = array<i64: 256, 256>}, {pipeline_mode = #tpu.pipeline_mode<synchronous>, transform_indices = @transform_14, window_bounds = array<i64: 1, 256>}, {pipeline_mode = #tpu.pipeline_mode<synchronous>, transform_indices = @transform_15, window_bounds = array<i64: 1, 256>}, {pipeline_mode = #tpu.pipeline_mode<synchronous>, transform_indices = @transform_16, window_bounds = array<i64: 1, 256>}, {transform_indices = @transform_17, window_bounds = array<i64: 2000, 256>}, {pipeline_mode = #tpu.pipeline_mode<synchronous>, transform_indices = @transform_18, window_bounds = array<i64: 8, 256>}]} {
    %eq3A = arith.constant 0 : i32
    %eq3A_0 = arith.cmpi eq, %arg0, %eq3A : i32
    %convert_element_type3A = arith.extui %eq3A_0 : i1 to i32
    %cond3A = arith.constant 0 : i32
    %cond3A_1 = arith.cmpi ne, %convert_element_type3A, %cond3A : i32
    scf.if %cond3A_1 {
      %get3A = arith.constant 0 : index
      %get3A_7 = arith.constant 0 : index
      %get3A_8 = vector.load %arg3[%get3A, %get3A_7] : memref<2000x8xf32, #tpu.memory_space<vmem>>, vector<2000x1xf32>
      %get3A_9 = vector.shape_cast %get3A_8 : vector<2000x1xf32> to vector<2000xf32>
      %max3A = arith.constant 1.000000e+00 : f32
      %max3A_10 = vector.broadcast %max3A : f32 to vector<2000xf32>
      %max3A_11 = arith.maximumf %get3A_9, %max3A_10 : vector<2000xf32>
      %div3A = arith.constant 1.000000e+00 : f32
      %div3A_12 = vector.broadcast %div3A : f32 to vector<2000xf32>
      %div3A_13 = arith.divf %div3A_12, %max3A_11 : vector<2000xf32>
      %get3A_14 = arith.constant 0 : index
      %get3A_15 = arith.constant 0 : index
      %get3A_16 = arith.constant 0 : index
      %get3A_17 = arith.constant 0 : index
      %get3A_18 = vector.load %arg2[%get3A_14, %get3A_15, %get3A_16, %get3A_17] : memref<4x1x2000x64xf32, #tpu.memory_space<vmem>>, vector<1x1x2000x64xf32>
      %get3A_19 = vector.shape_cast %get3A_18 : vector<1x1x2000x64xf32> to vector<2000x64xf32>
      %get3A_20 = arith.constant 0 : index
      %get3A_21 = arith.constant 0 : index
      %get3A_22 = arith.constant 0 : index
      %get3A_23 = vector.load %arg5[%get3A_20, %get3A_21, %get3A_22] : memref<4x64x256xf32, #tpu.memory_space<vmem>>, vector<1x64x256xf32>
      %get3A_24 = vector.shape_cast %get3A_23 : vector<1x64x256xf32> to vector<64x256xf32>
      %dot_general3A = arith.constant dense<0.000000e+00> : vector<2000x256xf32>
      %dot_general3A_25 = tpu.matmul %get3A_19, %get3A_24, %dot_general3A {dimension_numbers = #tpu.dot_dimension_numbers<[1], [0], [0], [1], [0, 0, 1, 1], [], []>, transpose_lhs_hint = false} : vector<2000x64xf32>, vector<64x256xf32>, vector<2000x256xf32> -> vector<2000x256xf32>
      %get3A_26 = arith.constant 1 : index
      %get3A_27 = arith.constant 0 : index
      %get3A_28 = arith.constant 0 : index
      %get3A_29 = arith.constant 0 : index
      %get3A_30 = vector.load %arg2[%get3A_26, %get3A_27, %get3A_28, %get3A_29] : memref<4x1x2000x64xf32, #tpu.memory_space<vmem>>, vector<1x1x2000x64xf32>
      %get3A_31 = vector.shape_cast %get3A_30 : vector<1x1x2000x64xf32> to vector<2000x64xf32>
      %get3A_32 = arith.constant 1 : index
      %get3A_33 = arith.constant 0 : index
      %get3A_34 = arith.constant 0 : index
      %get3A_35 = vector.load %arg5[%get3A_32, %get3A_33, %get3A_34] : memref<4x64x256xf32, #tpu.memory_space<vmem>>, vector<1x64x256xf32>
      %get3A_36 = vector.shape_cast %get3A_35 : vector<1x64x256xf32> to vector<64x256xf32>
      %dot_general3A_37 = arith.constant dense<0.000000e+00> : vector<2000x256xf32>
      %dot_general3A_38 = tpu.matmul %get3A_31, %get3A_36, %dot_general3A_37 {dimension_numbers = #tpu.dot_dimension_numbers<[1], [0], [0], [1], [0, 0, 1, 1], [], []>, transpose_lhs_hint = false} : vector<2000x64xf32>, vector<64x256xf32>, vector<2000x256xf32> -> vector<2000x256xf32>
      %add3A = arith.addf %dot_general3A_25, %dot_general3A_38 : vector<2000x256xf32>
      %get3A_39 = arith.constant 2 : index
      %get3A_40 = arith.constant 0 : index
      %get3A_41 = arith.constant 0 : index
      %get3A_42 = arith.constant 0 : index
      %get3A_43 = vector.load %arg2[%get3A_39, %get3A_40, %get3A_41, %get3A_42] : memref<4x1x2000x64xf32, #tpu.memory_space<vmem>>, vector<1x1x2000x64xf32>
      %get3A_44 = vector.shape_cast %get3A_43 : vector<1x1x2000x64xf32> to vector<2000x64xf32>
      %get3A_45 = arith.constant 2 : index
      %get3A_46 = arith.constant 0 : index
      %get3A_47 = arith.constant 0 : index
      %get3A_48 = vector.load %arg5[%get3A_45, %get3A_46, %get3A_47] : memref<4x64x256xf32, #tpu.memory_space<vmem>>, vector<1x64x256xf32>
      %get3A_49 = vector.shape_cast %get3A_48 : vector<1x64x256xf32> to vector<64x256xf32>
      %dot_general3A_50 = arith.constant dense<0.000000e+00> : vector<2000x256xf32>
      %dot_general3A_51 = tpu.matmul %get3A_44, %get3A_49, %dot_general3A_50 {dimension_numbers = #tpu.dot_dimension_numbers<[1], [0], [0], [1], [0, 0, 1, 1], [], []>, transpose_lhs_hint = false} : vector<2000x64xf32>, vector<64x256xf32>, vector<2000x256xf32> -> vector<2000x256xf32>
      %add3A_52 = arith.addf %add3A, %dot_general3A_51 : vector<2000x256xf32>
      %get3A_53 = arith.constant 3 : index
      %get3A_54 = arith.constant 0 : index
      %get3A_55 = arith.constant 0 : index
      %get3A_56 = arith.constant 0 : index
      %get3A_57 = vector.load %arg2[%get3A_53, %get3A_54, %get3A_55, %get3A_56] : memref<4x1x2000x64xf32, #tpu.memory_space<vmem>>, vector<1x1x2000x64xf32>
      %get3A_58 = vector.shape_cast %get3A_57 : vector<1x1x2000x64xf32> to vector<2000x64xf32>
      %get3A_59 = arith.constant 3 : index
      %get3A_60 = arith.constant 0 : index
      %get3A_61 = arith.constant 0 : index
      %get3A_62 = vector.load %arg5[%get3A_59, %get3A_60, %get3A_61] : memref<4x64x256xf32, #tpu.memory_space<vmem>>, vector<1x64x256xf32>
      %get3A_63 = vector.shape_cast %get3A_62 : vector<1x64x256xf32> to vector<64x256xf32>
      %dot_general3A_64 = arith.constant dense<0.000000e+00> : vector<2000x256xf32>
      %dot_general3A_65 = tpu.matmul %get3A_58, %get3A_63, %dot_general3A_64 {dimension_numbers = #tpu.dot_dimension_numbers<[1], [0], [0], [1], [0, 0, 1, 1], [], []>, transpose_lhs_hint = false} : vector<2000x64xf32>, vector<64x256xf32>, vector<2000x256xf32> -> vector<2000x256xf32>
      %add3A_66 = arith.addf %add3A_52, %dot_general3A_65 : vector<2000x256xf32>
      %broadcast_in_dim3A = vector.shape_cast %get3A_9 : vector<2000xf32> to vector<2000x1xf32>
      %get3A_67 = arith.constant 0 : index
      %get3A_68 = arith.constant 0 : index
      %get3A_69 = vector.load %arg7[%get3A_67, %get3A_68] : memref<1x256xf32, #tpu.memory_space<vmem>>, vector<1x256xf32>
      %mul3A = vector.broadcast %broadcast_in_dim3A : vector<2000x1xf32> to vector<2000x256xf32>
      %mul3A_70 = vector.broadcast %get3A_69 : vector<1x256xf32> to vector<2000x256xf32>
      %mul3A_71 = arith.mulf %mul3A, %mul3A_70 : vector<2000x256xf32>
      %add3A_72 = arith.addf %add3A_66, %mul3A_71 : vector<2000x256xf32>
      %broadcast_in_dim3A_73 = vector.shape_cast %div3A_13 : vector<2000xf32> to vector<2000x1xf32>
      %mul3A_74 = vector.broadcast %broadcast_in_dim3A_73 : vector<2000x1xf32> to vector<2000x256xf32>
      %mul3A_75 = arith.mulf %add3A_72, %mul3A_74 : vector<2000x256xf32>
      %get3A_76 = arith.constant 0 : index
      %get3A_77 = arith.constant 0 : index
      %get3A_78 = vector.load %arg6[%get3A_76, %get3A_77] : memref<1x256xf32, #tpu.memory_space<vmem>>, vector<1x256xf32>
      %add3A_79 = vector.broadcast %get3A_78 : vector<1x256xf32> to vector<2000x256xf32>
      %add3A_80 = arith.addf %mul3A_75, %add3A_79 : vector<2000x256xf32>
      %max3A_81 = arith.constant 0.000000e+00 : f32
      %max3A_82 = vector.broadcast %max3A_81 : f32 to vector<2000x256xf32>
      %max3A_83 = arith.maximumf %add3A_80, %max3A_82 : vector<2000x256xf32>
      %mul3A_84 = arith.constant 2000 : i32
      %mul3A_85 = arith.muli %arg1, %mul3A_84 : i32
      %swap3A = arith.index_cast %mul3A_85 : i32 to index
      %swap3A_86 = arith.constant 0 : index
      %swap3A_87 = vector.load %arg21[%swap3A, %swap3A_86] : memref<10000x256xf32, #tpu.memory_space<vmem>>, vector<2000x256xf32>
      tpu.vector_store %arg21[%swap3A, %swap3A_86], %max3A_83 {strides = array<i32>} : memref<10000x256xf32, #tpu.memory_space<vmem>>, vector<2000x256xf32>,
      %reduce_sum3A = arith.constant dense<0.000000e+00> : vector<256xf32>
      %reduce_sum3A_88 = vector.multi_reduction <add>, %max3A_83, %reduce_sum3A [0] : vector<2000x256xf32> to vector<256xf32>
      %broadcast_in_dim3A_89 = vector.shape_cast %reduce_sum3A_88 : vector<256xf32> to vector<1x256xf32>
      %mul3A_90 = arith.mulf %max3A_83, %max3A_83 : vector<2000x256xf32>
      %reduce_sum3A_91 = arith.constant dense<0.000000e+00> : vector<256xf32>
      %reduce_sum3A_92 = vector.multi_reduction <add>, %mul3A_90, %reduce_sum3A_91 [0] : vector<2000x256xf32> to vector<256xf32>
      %broadcast_in_dim3A_93 = vector.shape_cast %reduce_sum3A_92 : vector<256xf32> to vector<1x256xf32>
      %broadcast_in_dim3A_94 = arith.constant 0.000000e+00 : f32
      %broadcast_in_dim3A_95 = vector.broadcast %broadcast_in_dim3A_94 : f32 to vector<6x256xf32>
      %concatenate3A = tpu.concatenate %broadcast_in_dim3A_89, %broadcast_in_dim3A_93, %broadcast_in_dim3A_95 in 0 : vector<1x256xf32>, vector<1x256xf32>, vector<6x256xf32> -> vector<8x256xf32>
      %eq3A_96 = arith.constant 0 : i32
      %eq3A_97 = arith.cmpi eq, %arg1, %eq3A_96 : i32
      %convert_element_type3A_98 = arith.extui %eq3A_97 : i1 to i32
      %cond3A_99 = arith.constant 0 : i32
      %cond3A_100 = arith.cmpi ne, %convert_element_type3A_98, %cond3A_99 : i32
      scf.if %cond3A_100 {
        %swap3A_105 = arith.constant 0 : index
        %swap3A_106 = arith.constant 0 : index
        %swap3A_107 = vector.load %arg22[%swap3A_105, %swap3A_106] : memref<8x256xf32, #tpu.memory_space<vmem>>, vector<8x256xf32>
        tpu.vector_store %arg22[%swap3A_105, %swap3A_106], %concatenate3A {strides = array<i32>} : memref<8x256xf32, #tpu.memory_space<vmem>>, vector<8x256xf32>,
      } else {
      }
      %gt3A = arith.constant 0 : i32
      %gt3A_101 = arith.cmpi sgt, %arg1, %gt3A : i32
      %convert_element_type3A_102 = arith.extui %gt3A_101 : i1 to i32
      %cond3A_103 = arith.constant 0 : i32
      %cond3A_104 = arith.cmpi ne, %convert_element_type3A_102, %cond3A_103 : i32
      scf.if %cond3A_104 {
        %get3A_105 = arith.constant 0 : index
        %get3A_106 = arith.constant 0 : index
        %get3A_107 = vector.load %arg22[%get3A_105, %get3A_106] : memref<8x256xf32, #tpu.memory_space<vmem>>, vector<8x256xf32>
        %add3A_108 = arith.addf %get3A_107, %concatenate3A : vector<8x256xf32>
        %swap3A_109 = arith.constant 0 : index
        %swap3A_110 = arith.constant 0 : index
        %swap3A_111 = vector.load %arg22[%swap3A_109, %swap3A_110] : memref<8x256xf32, #tpu.memory_space<vmem>>, vector<8x256xf32>
        tpu.vector_store %arg22[%swap3A_109, %swap3A_110], %add3A_108 {strides = array<i32>} : memref<8x256xf32, #tpu.memory_space<vmem>>, vector<8x256xf32>,
      } else {
      }
    } else {
    }
    %eq3A_2 = arith.constant 1 : i32
    %eq3A_3 = arith.cmpi eq, %arg0, %eq3A_2 : i32
    %convert_element_type3A_4 = arith.extui %eq3A_3 : i1 to i32
    %cond3A_5 = arith.constant 0 : i32
    %cond3A_6 = arith.cmpi ne, %convert_element_type3A_4, %cond3A_5 : i32
    scf.if %cond3A_6 {
      %get3A = arith.constant 0 : index
      %get3A_7 = arith.constant 0 : index
      %get3A_8 = vector.load %arg22[%get3A, %get3A_7] : memref<8x256xf32, #tpu.memory_space<vmem>>, vector<1x256xf32>
      %get3A_9 = vector.shape_cast %get3A_8 : vector<1x256xf32> to vector<256xf32>
      %mul3A = arith.constant 9.99999974E-5 : f32
      %mul3A_10 = vector.broadcast %mul3A : f32 to vector<256xf32>
      %mul3A_11 = arith.mulf %get3A_9, %mul3A_10 : vector<256xf32>
      %get3A_12 = arith.constant 1 : index
      %get3A_13 = arith.constant 0 : index
      %get3A_14 = vector.load %arg22[%get3A_12, %get3A_13] : memref<8x256xf32, #tpu.memory_space<vmem>>, vector<1x256xf32>
      %get3A_15 = vector.shape_cast %get3A_14 : vector<1x256xf32> to vector<256xf32>
      %mul3A_16 = arith.constant 9.99999974E-5 : f32
      %mul3A_17 = vector.broadcast %mul3A_16 : f32 to vector<256xf32>
      %mul3A_18 = arith.mulf %get3A_15, %mul3A_17 : vector<256xf32>
      %mul3A_19 = arith.mulf %mul3A_11, %mul3A_11 : vector<256xf32>
      %sub3A = arith.subf %mul3A_18, %mul3A_19 : vector<256xf32>
      %add3A = arith.constant 9.99999974E-6 : f32
      %add3A_20 = vector.broadcast %add3A : f32 to vector<256xf32>
      %add3A_21 = arith.addf %sub3A, %add3A_20 : vector<256xf32>
      %rsqrt3A = math.rsqrt %add3A_21 : vector<256xf32>
      %mul3A_22 = arith.constant 2000 : i32
      %mul3A_23 = arith.muli %arg1, %mul3A_22 : i32
      %get3A_24 = arith.index_cast %mul3A_23 : i32 to index
      %get3A_25 = arith.constant 0 : index
      %get3A_26 = vector.load %arg21[%get3A_24, %get3A_25] : memref<10000x256xf32, #tpu.memory_space<vmem>>, vector<2000x256xf32>
      %broadcast_in_dim3A = vector.shape_cast %mul3A_11 : vector<256xf32> to vector<1x256xf32>
      %sub3A_27 = vector.broadcast %broadcast_in_dim3A : vector<1x256xf32> to vector<2000x256xf32>
      %sub3A_28 = arith.subf %get3A_26, %sub3A_27 : vector<2000x256xf32>
      %broadcast_in_dim3A_29 = vector.shape_cast %rsqrt3A : vector<256xf32> to vector<1x256xf32>
      %mul3A_30 = vector.broadcast %broadcast_in_dim3A_29 : vector<1x256xf32> to vector<2000x256xf32>
      %mul3A_31 = arith.mulf %sub3A_28, %mul3A_30 : vector<2000x256xf32>
      %get3A_32 = arith.constant 0 : index
      %get3A_33 = arith.constant 0 : index
      %get3A_34 = vector.load %arg8[%get3A_32, %get3A_33] : memref<1x256xf32, #tpu.memory_space<vmem>>, vector<1x256xf32>
      %mul3A_35 = vector.broadcast %get3A_34 : vector<1x256xf32> to vector<2000x256xf32>
      %mul3A_36 = arith.mulf %mul3A_31, %mul3A_35 : vector<2000x256xf32>
      %get3A_37 = arith.constant 0 : index
      %get3A_38 = arith.constant 0 : index
      %get3A_39 = vector.load %arg9[%get3A_37, %get3A_38] : memref<1x256xf32, #tpu.memory_space<vmem>>, vector<1x256xf32>
      %add3A_40 = vector.broadcast %get3A_39 : vector<1x256xf32> to vector<2000x256xf32>
      %add3A_41 = arith.addf %mul3A_36, %add3A_40 : vector<2000x256xf32>
      %swap3A = arith.constant 0 : index
      %swap3A_42 = arith.constant 0 : index
      %swap3A_43 = vector.load %arg19[%swap3A, %swap3A_42] : memref<2000x256xf32, #tpu.memory_space<vmem>>, vector<2000x256xf32>
      tpu.vector_store %arg19[%swap3A, %swap3A_42], %add3A_41 {strides = array<i32>} : memref<2000x256xf32, #tpu.memory_space<vmem>>, vector<2000x256xf32>,
      %get3A_44 = arith.constant 0 : index
      %get3A_45 = arith.constant 0 : index
      %get3A_46 = arith.constant 0 : index
      %get3A_47 = vector.load %arg4[%get3A_44, %get3A_45, %get3A_46] : memref<1x1x2000xi32, #tpu.memory_space<vmem>>, vector<1x1x2000xi32>
      %get3A_48 = vector.shape_cast %get3A_47 : vector<1x1x2000xi32> to vector<2000xi32>
      %iota3A = tpu.iota {dimensions = array<i32: 0>} : vector<8x2000xi32>
      %broadcast_in_dim3A_49 = vector.shape_cast %get3A_48 : vector<2000xi32> to vector<1x2000xi32>
      %eq3A_50 = vector.broadcast %broadcast_in_dim3A_49 : vector<1x2000xi32> to vector<8x2000xi32>
      %eq3A_51 = arith.cmpi eq, %eq3A_50, %iota3A : vector<8x2000xi32>
      %convert_element_type3A_52 = arith.extui %eq3A_51 : vector<8x2000xi1> to vector<8x2000xi32>
      %convert_element_type3A_53 = arith.sitofp %convert_element_type3A_52 : vector<8x2000xi32> to vector<8x2000xf32>
      %dot_general3A = arith.constant dense<0.000000e+00> : vector<8x256xf32>
      %dot_general3A_54 = tpu.matmul %convert_element_type3A_53, %add3A_41, %dot_general3A {dimension_numbers = #tpu.dot_dimension_numbers<[1], [0], [0], [1], [0, 0, 1, 1], [], []>, transpose_lhs_hint = false} : vector<8x2000xf32>, vector<2000x256xf32>, vector<8x256xf32> -> vector<8x256xf32>
      %eq3A_55 = arith.constant 0 : i32
      %eq3A_56 = arith.cmpi eq, %arg1, %eq3A_55 : i32
      %convert_element_type3A_57 = arith.extui %eq3A_56 : i1 to i32
      %cond3A_58 = arith.constant 0 : i32
      %cond3A_59 = arith.cmpi ne, %convert_element_type3A_57, %cond3A_58 : i32
      scf.if %cond3A_59 {
        %swap3A_69 = arith.constant 0 : index
        %swap3A_70 = arith.constant 0 : index
        %swap3A_71 = vector.load %arg23[%swap3A_69, %swap3A_70] : memref<8x256xf32, #tpu.memory_space<vmem>>, vector<8x256xf32>
        tpu.vector_store %arg23[%swap3A_69, %swap3A_70], %dot_general3A_54 {strides = array<i32>} : memref<8x256xf32, #tpu.memory_space<vmem>>, vector<8x256xf32>,
      } else {
      }
      %gt3A = arith.constant 0 : i32
      %gt3A_60 = arith.cmpi sgt, %arg1, %gt3A : i32
      %convert_element_type3A_61 = arith.extui %gt3A_60 : i1 to i32
      %cond3A_62 = arith.constant 0 : i32
      %cond3A_63 = arith.cmpi ne, %convert_element_type3A_61, %cond3A_62 : i32
      scf.if %cond3A_63 {
        %get3A_69 = arith.constant 0 : index
        %get3A_70 = arith.constant 0 : index
        %get3A_71 = vector.load %arg23[%get3A_69, %get3A_70] : memref<8x256xf32, #tpu.memory_space<vmem>>, vector<8x256xf32>
        %add3A_72 = arith.addf %get3A_71, %dot_general3A_54 : vector<8x256xf32>
        %swap3A_73 = arith.constant 0 : index
        %swap3A_74 = arith.constant 0 : index
        %swap3A_75 = vector.load %arg23[%swap3A_73, %swap3A_74] : memref<8x256xf32, #tpu.memory_space<vmem>>, vector<8x256xf32>
        tpu.vector_store %arg23[%swap3A_73, %swap3A_74], %add3A_72 {strides = array<i32>} : memref<8x256xf32, #tpu.memory_space<vmem>>, vector<8x256xf32>,
      } else {
      }
      %eq3A_64 = arith.constant 4 : i32
      %eq3A_65 = arith.cmpi eq, %arg1, %eq3A_64 : i32
      %convert_element_type3A_66 = arith.extui %eq3A_65 : i1 to i32
      %cond3A_67 = arith.constant 0 : i32
      %cond3A_68 = arith.cmpi ne, %convert_element_type3A_66, %cond3A_67 : i32
      scf.if %cond3A_68 {
        %get3A_69 = arith.constant 0 : index
        %get3A_70 = arith.constant 0 : index
        %get3A_71 = vector.load %arg23[%get3A_69, %get3A_70] : memref<8x256xf32, #tpu.memory_space<vmem>>, vector<8x256xf32>
        %get3A_72 = arith.constant 0 : index
        %get3A_73 = arith.constant 0 : index
        %get3A_74 = vector.load %arg10[%get3A_72, %get3A_73] : memref<1x256xf32, #tpu.memory_space<vmem>>, vector<1x256xf32>
        %add3A_75 = vector.broadcast %get3A_74 : vector<1x256xf32> to vector<8x256xf32>
        %add3A_76 = arith.addf %get3A_71, %add3A_75 : vector<8x256xf32>
        %get3A_77 = arith.constant 0 : index
        %get3A_78 = arith.constant 0 : index
        %get3A_79 = vector.load %arg11[%get3A_77, %get3A_78] : memref<256x256xf32, #tpu.memory_space<vmem>>, vector<256x256xf32>
        %dot_general3A_80 = arith.constant dense<0.000000e+00> : vector<8x256xf32>
        %dot_general3A_81 = tpu.matmul %add3A_76, %get3A_79, %dot_general3A_80 {dimension_numbers = #tpu.dot_dimension_numbers<[1], [0], [0], [1], [0, 0, 1, 1], [], []>, transpose_lhs_hint = false} : vector<8x256xf32>, vector<256x256xf32>, vector<8x256xf32> -> vector<8x256xf32>
        %get3A_82 = arith.constant 0 : index
        %get3A_83 = arith.constant 0 : index
        %get3A_84 = vector.load %arg12[%get3A_82, %get3A_83] : memref<1x256xf32, #tpu.memory_space<vmem>>, vector<1x256xf32>
        %add3A_85 = vector.broadcast %get3A_84 : vector<1x256xf32> to vector<8x256xf32>
        %add3A_86 = arith.addf %dot_general3A_81, %add3A_85 : vector<8x256xf32>
        %get3A_87 = arith.constant 0 : index
        %get3A_88 = arith.constant 0 : index
        %get3A_89 = vector.load %arg13[%get3A_87, %get3A_88] : memref<1x256xf32, #tpu.memory_space<vmem>>, vector<1x256xf32>
        %get3A_90 = arith.constant 0 : index
        %get3A_91 = arith.constant 0 : index
        %get3A_92 = vector.load %arg14[%get3A_90, %get3A_91] : memref<1x256xf32, #tpu.memory_space<vmem>>, vector<1x256xf32>
        %reduce_sum3A = arith.constant dense<0.000000e+00> : vector<256xf32>
        %reduce_sum3A_93 = vector.multi_reduction <add>, %add3A_86, %reduce_sum3A [0] : vector<8x256xf32> to vector<256xf32>
        %broadcast_in_dim3A_94 = vector.shape_cast %reduce_sum3A_93 : vector<256xf32> to vector<1x256xf32>
        %div3A = arith.constant 8.000000e+00 : f32
        %div3A_95 = vector.broadcast %div3A : f32 to vector<1x256xf32>
        %div3A_96 = arith.divf %broadcast_in_dim3A_94, %div3A_95 : vector<1x256xf32>
        %sub3A_97 = vector.broadcast %div3A_96 : vector<1x256xf32> to vector<8x256xf32>
        %sub3A_98 = arith.subf %add3A_86, %sub3A_97 : vector<8x256xf32>
        %sub3A_99 = vector.broadcast %div3A_96 : vector<1x256xf32> to vector<8x256xf32>
        %sub3A_100 = arith.subf %add3A_86, %sub3A_99 : vector<8x256xf32>
        %mul3A_101 = arith.mulf %sub3A_98, %sub3A_100 : vector<8x256xf32>
        %reduce_sum3A_102 = arith.constant dense<0.000000e+00> : vector<256xf32>
        %reduce_sum3A_103 = vector.multi_reduction <add>, %mul3A_101, %reduce_sum3A_102 [0] : vector<8x256xf32> to vector<256xf32>
        %broadcast_in_dim3A_104 = vector.shape_cast %reduce_sum3A_103 : vector<256xf32> to vector<1x256xf32>
        %div3A_105 = arith.constant 8.000000e+00 : f32
        %div3A_106 = vector.broadcast %div3A_105 : f32 to vector<1x256xf32>
        %div3A_107 = arith.divf %broadcast_in_dim3A_104, %div3A_106 : vector<1x256xf32>
        %sub3A_108 = vector.broadcast %div3A_96 : vector<1x256xf32> to vector<8x256xf32>
        %sub3A_109 = arith.subf %add3A_86, %sub3A_108 : vector<8x256xf32>
        %add3A_110 = arith.constant 9.99999974E-6 : f32
        %add3A_111 = vector.broadcast %add3A_110 : f32 to vector<1x256xf32>
        %add3A_112 = arith.addf %div3A_107, %add3A_111 : vector<1x256xf32>
        %rsqrt3A_113 = math.rsqrt %add3A_112 : vector<1x256xf32>
        %mul3A_114 = vector.broadcast %rsqrt3A_113 : vector<1x256xf32> to vector<8x256xf32>
        %mul3A_115 = arith.mulf %sub3A_109, %mul3A_114 : vector<8x256xf32>
        %mul3A_116 = vector.broadcast %get3A_89 : vector<1x256xf32> to vector<8x256xf32>
        %mul3A_117 = arith.mulf %mul3A_115, %mul3A_116 : vector<8x256xf32>
        %add3A_118 = vector.broadcast %get3A_92 : vector<1x256xf32> to vector<8x256xf32>
        %add3A_119 = arith.addf %mul3A_117, %add3A_118 : vector<8x256xf32>
        %max3A = arith.constant 0.000000e+00 : f32
        %max3A_120 = vector.broadcast %max3A : f32 to vector<8x256xf32>
        %max3A_121 = arith.maximumf %add3A_119, %max3A_120 : vector<8x256xf32>
        %get3A_122 = arith.constant 0 : index
        %get3A_123 = arith.constant 0 : index
        %get3A_124 = vector.load %arg15[%get3A_122, %get3A_123] : memref<256x256xf32, #tpu.memory_space<vmem>>, vector<256x256xf32>
        %dot_general3A_125 = arith.constant dense<0.000000e+00> : vector<8x256xf32>
        %dot_general3A_126 = tpu.matmul %max3A_121, %get3A_124, %dot_general3A_125 {dimension_numbers = #tpu.dot_dimension_numbers<[1], [0], [0], [1], [0, 0, 1, 1], [], []>, transpose_lhs_hint = false} : vector<8x256xf32>, vector<256x256xf32>, vector<8x256xf32> -> vector<8x256xf32>
        %get3A_127 = arith.constant 0 : index
        %get3A_128 = arith.constant 0 : index
        %get3A_129 = vector.load %arg16[%get3A_127, %get3A_128] : memref<1x256xf32, #tpu.memory_space<vmem>>, vector<1x256xf32>
        %add3A_130 = vector.broadcast %get3A_129 : vector<1x256xf32> to vector<8x256xf32>
        %add3A_131 = arith.addf %dot_general3A_126, %add3A_130 : vector<8x256xf32>
        %get3A_132 = arith.constant 0 : index
        %get3A_133 = arith.constant 0 : index
        %get3A_134 = vector.load %arg17[%get3A_132, %get3A_133] : memref<1x256xf32, #tpu.memory_space<vmem>>, vector<1x256xf32>
        %get3A_135 = arith.constant 0 : index
        %get3A_136 = arith.constant 0 : index
        %get3A_137 = vector.load %arg18[%get3A_135, %get3A_136] : memref<1x256xf32, #tpu.memory_space<vmem>>, vector<1x256xf32>
        %reduce_sum3A_138 = arith.constant dense<0.000000e+00> : vector<256xf32>
        %reduce_sum3A_139 = vector.multi_reduction <add>, %add3A_131, %reduce_sum3A_138 [0] : vector<8x256xf32> to vector<256xf32>
        %broadcast_in_dim3A_140 = vector.shape_cast %reduce_sum3A_139 : vector<256xf32> to vector<1x256xf32>
        %div3A_141 = arith.constant 8.000000e+00 : f32
        %div3A_142 = vector.broadcast %div3A_141 : f32 to vector<1x256xf32>
        %div3A_143 = arith.divf %broadcast_in_dim3A_140, %div3A_142 : vector<1x256xf32>
        %sub3A_144 = vector.broadcast %div3A_143 : vector<1x256xf32> to vector<8x256xf32>
        %sub3A_145 = arith.subf %add3A_131, %sub3A_144 : vector<8x256xf32>
        %sub3A_146 = vector.broadcast %div3A_143 : vector<1x256xf32> to vector<8x256xf32>
        %sub3A_147 = arith.subf %add3A_131, %sub3A_146 : vector<8x256xf32>
        %mul3A_148 = arith.mulf %sub3A_145, %sub3A_147 : vector<8x256xf32>
        %reduce_sum3A_149 = arith.constant dense<0.000000e+00> : vector<256xf32>
        %reduce_sum3A_150 = vector.multi_reduction <add>, %mul3A_148, %reduce_sum3A_149 [0] : vector<8x256xf32> to vector<256xf32>
        %broadcast_in_dim3A_151 = vector.shape_cast %reduce_sum3A_150 : vector<256xf32> to vector<1x256xf32>
        %div3A_152 = arith.constant 8.000000e+00 : f32
        %div3A_153 = vector.broadcast %div3A_152 : f32 to vector<1x256xf32>
        %div3A_154 = arith.divf %broadcast_in_dim3A_151, %div3A_153 : vector<1x256xf32>
        %sub3A_155 = vector.broadcast %div3A_143 : vector<1x256xf32> to vector<8x256xf32>
        %sub3A_156 = arith.subf %add3A_131, %sub3A_155 : vector<8x256xf32>
        %add3A_157 = arith.constant 9.99999974E-6 : f32
        %add3A_158 = vector.broadcast %add3A_157 : f32 to vector<1x256xf32>
        %add3A_159 = arith.addf %div3A_154, %add3A_158 : vector<1x256xf32>
        %rsqrt3A_160 = math.rsqrt %add3A_159 : vector<1x256xf32>
        %mul3A_161 = vector.broadcast %rsqrt3A_160 : vector<1x256xf32> to vector<8x256xf32>
        %mul3A_162 = arith.mulf %sub3A_156, %mul3A_161 : vector<8x256xf32>
        %mul3A_163 = vector.broadcast %get3A_134 : vector<1x256xf32> to vector<8x256xf32>
        %mul3A_164 = arith.mulf %mul3A_162, %mul3A_163 : vector<8x256xf32>
        %add3A_165 = vector.broadcast %get3A_137 : vector<1x256xf32> to vector<8x256xf32>
        %add3A_166 = arith.addf %mul3A_164, %add3A_165 : vector<8x256xf32>
        %max3A_167 = arith.constant 0.000000e+00 : f32
        %max3A_168 = vector.broadcast %max3A_167 : f32 to vector<8x256xf32>
        %max3A_169 = arith.maximumf %add3A_166, %max3A_168 : vector<8x256xf32>
        %swap3A_170 = arith.constant 0 : index
        %swap3A_171 = arith.constant 0 : index
        %swap3A_172 = vector.load %arg20[%swap3A_170, %swap3A_171] : memref<8x256xf32, #tpu.memory_space<vmem>>, vector<8x256xf32>
        tpu.vector_store %arg20[%swap3A_170, %swap3A_171], %max3A_169 {strides = array<i32>} : memref<8x256xf32, #tpu.memory_space<vmem>>, vector<8x256xf32>,
      } else {
      }
    } else {
    }
    return
  }
  func.func @transform_0(%arg0: i32, %arg1: i32) -> (i32, i32, i32, i32) {
    %sub3A = arith.constant 1 : i32
    %sub3A_0 = arith.subi %sub3A, %arg0 : i32
    %mul3A = arith.muli %arg1, %sub3A_0 : i32
    %c0_i32 = arith.constant 0 : i32
    %c0_i32_1 = arith.constant 0 : i32
    %c0_i32_2 = arith.constant 0 : i32
    %c0_i32_3 = arith.constant 0 : i32
    return %c0_i32, %mul3A, %c0_i32_1, %c0_i32_2 : i32, i32, i32, i32
  }
  func.func @transform_1(%arg0: i32, %arg1: i32) -> (i32, i32) {
    %sub3A = arith.constant 1 : i32
    %sub3A_0 = arith.subi %sub3A, %arg0 : i32
    %mul3A = arith.muli %arg1, %sub3A_0 : i32
    %c0_i32 = arith.constant 0 : i32
    %c0_i32_1 = arith.constant 0 : i32
    return %mul3A, %c0_i32 : i32, i32
  }
  func.func @transform_2(%arg0: i32, %arg1: i32) -> (i32, i32, i32) {
    %mul3A = arith.muli %arg1, %arg0 : i32
    %c0_i32 = arith.constant 0 : i32
    %c0_i32_0 = arith.constant 0 : i32
    %c0_i32_1 = arith.constant 0 : i32
    return %mul3A, %c0_i32, %c0_i32_0 : i32, i32, i32
  }
  func.func @transform_3(%arg0: i32, %arg1: i32) -> (i32, i32, i32) {
    %c0_i32 = arith.constant 0 : i32
    %c0_i32_0 = arith.constant 0 : i32
    %c0_i32_1 = arith.constant 0 : i32
    %c0_i32_2 = arith.constant 0 : i32
    return %c0_i32, %c0_i32_0, %c0_i32_1 : i32, i32, i32
  }
  func.func @transform_4(%arg0: i32, %arg1: i32) -> (i32, i32) {
    %c0_i32 = arith.constant 0 : i32
    %c0_i32_0 = arith.constant 0 : i32
    %c0_i32_1 = arith.constant 0 : i32
    return %c0_i32, %c0_i32_0 : i32, i32
  }
  func.func @transform_5(%arg0: i32, %arg1: i32) -> (i32, i32) {
    %c0_i32 = arith.constant 0 : i32
    %c0_i32_0 = arith.constant 0 : i32
    %c0_i32_1 = arith.constant 0 : i32
    return %c0_i32, %c0_i32_0 : i32, i32
  }
  func.func @transform_6(%arg0: i32, %arg1: i32) -> (i32, i32) {
    %c0_i32 = arith.constant 0 : i32
    %c0_i32_0 = arith.constant 0 : i32
    %c0_i32_1 = arith.constant 0 : i32
    return %c0_i32, %c0_i32_0 : i32, i32
  }
  func.func @transform_7(%arg0: i32, %arg1: i32) -> (i32, i32) {
    %c0_i32 = arith.constant 0 : i32
    %c0_i32_0 = arith.constant 0 : i32
    %c0_i32_1 = arith.constant 0 : i32
    return %c0_i32, %c0_i32_0 : i32, i32
  }
  func.func @transform_8(%arg0: i32, %arg1: i32) -> (i32, i32) {
    %c0_i32 = arith.constant 0 : i32
    %c0_i32_0 = arith.constant 0 : i32
    %c0_i32_1 = arith.constant 0 : i32
    return %c0_i32, %c0_i32_0 : i32, i32
  }
  func.func @transform_9(%arg0: i32, %arg1: i32) -> (i32, i32) {
    %c0_i32 = arith.constant 0 : i32
    %c0_i32_0 = arith.constant 0 : i32
    %c0_i32_1 = arith.constant 0 : i32
    return %c0_i32, %c0_i32_0 : i32, i32
  }
  func.func @transform_10(%arg0: i32, %arg1: i32) -> (i32, i32) {
    %c0_i32 = arith.constant 0 : i32
    %c0_i32_0 = arith.constant 0 : i32
    %c0_i32_1 = arith.constant 0 : i32
    return %c0_i32, %c0_i32_0 : i32, i32
  }
  func.func @transform_11(%arg0: i32, %arg1: i32) -> (i32, i32) {
    %c0_i32 = arith.constant 0 : i32
    %c0_i32_0 = arith.constant 0 : i32
    %c0_i32_1 = arith.constant 0 : i32
    return %c0_i32, %c0_i32_0 : i32, i32
  }
  func.func @transform_12(%arg0: i32, %arg1: i32) -> (i32, i32) {
    %c0_i32 = arith.constant 0 : i32
    %c0_i32_0 = arith.constant 0 : i32
    %c0_i32_1 = arith.constant 0 : i32
    return %c0_i32, %c0_i32_0 : i32, i32
  }
  func.func @transform_13(%arg0: i32, %arg1: i32) -> (i32, i32) {
    %c0_i32 = arith.constant 0 : i32
    %c0_i32_0 = arith.constant 0 : i32
    %c0_i32_1 = arith.constant 0 : i32
    return %c0_i32, %c0_i32_0 : i32, i32
  }
  func.func @transform_14(%arg0: i32, %arg1: i32) -> (i32, i32) {
    %c0_i32 = arith.constant 0 : i32
    %c0_i32_0 = arith.constant 0 : i32
    %c0_i32_1 = arith.constant 0 : i32
    return %c0_i32, %c0_i32_0 : i32, i32
  }
  func.func @transform_15(%arg0: i32, %arg1: i32) -> (i32, i32) {
    %c0_i32 = arith.constant 0 : i32
    %c0_i32_0 = arith.constant 0 : i32
    %c0_i32_1 = arith.constant 0 : i32
    return %c0_i32, %c0_i32_0 : i32, i32
  }
  func.func @transform_16(%arg0: i32, %arg1: i32) -> (i32, i32) {
    %c0_i32 = arith.constant 0 : i32
    %c0_i32_0 = arith.constant 0 : i32
    %c0_i32_1 = arith.constant 0 : i32
    return %c0_i32, %c0_i32_0 : i32, i32
  }
  func.func @transform_17(%arg0: i32, %arg1: i32) -> (i32, i32) {
    %mul3A = arith.muli %arg1, %arg0 : i32
    %c0_i32 = arith.constant 0 : i32
    %c0_i32_0 = arith.constant 0 : i32
    return %mul3A, %c0_i32 : i32, i32
  }
  func.func @transform_18(%arg0: i32, %arg1: i32) -> (i32, i32) {
    %c0_i32 = arith.constant 0 : i32
    %c0_i32_0 = arith.constant 0 : i32
    %c0_i32_1 = arith.constant 0 : i32
    return %c0_i32, %c0_i32_0 : i32, i32
  }
}

</mosaic_0001>

<sc_bundles>
// kernel: kernel.4.cloned.1.call-start
scs
__scs_entry_jumppad:
0x0: {  	(pc) =	sbr.rel $0x88, $3  }
0x1: {  	(tag) =	ssettag $0x0;
	lr =	simm.s32 $0x1  }
0x2: {  	[smem:$0x3F91] =	sst lr;
	_ =	strace $0xD0000000  }
0x3: {  	_ = 	snop  }
0x4: {  	_ = 	snop  }
0x5: {  	_ = 	snop  }
0x6: {  	_ = 	snop  }
0x7: {  	_ = 	snop  }
__scs_overlays_trampoline_lowered:
0x8: {  	[smem:$0x3FA0] =	sst s0  }
0x9: {  	[smem:$0x3FA1] =	sst s1  }
0xa: {  	[smem:$0x3FA2] =	sst s2  }
0xb: {  	[smem:$0x3FA3] =	sst s3  }
0xc: {  	[smem:$0x3FA4] =	sst s4  }
0xd: {  	[smem:$0x3FA5] =	sst s5  }
0xe: {  	[smem:$0x3FA6] =	sst s6  }
0xf: {  	[smem:$0x3FA7] =	sst s7  }
0x10: {  	[smem:$0x3FA8] =	sst s8  }
0x11: {  	[smem:$0x3FA9] =	sst s9;
	s0 =	simm.s32 @!p0 $0x0  }
0x12: {  	s1 =	sld [smem:$0x3F8F];
	s0 =	simm.s32 @p0 $0x1  }
0x13: {  	[smem:$0x3FAA] =	sst s0;
	s0 =	simm.s32 @!p1 $0x0  }
0x14: {  	s2 =	sld [smem:$0x3F8E];
	s0 =	simm.s32 @p1 $0x1  }
0x15: {  	[smem:$0x3FAB] =	sst s0;
	s0 =	simm.s32 @!p2 $0x0  }
0x16: {  	s3 =	sld [smem:$0x3FDB];
	s0 =	simm.s32 @p2 $0x1  }
0x17: {  	s4 =	simm.s32 $0x1BF5;
	[smem:$0x3FAD] =	sst s0  }
0x18: {  	s0 =	sld [smem:$0x3F90];
	_ =	swait.ge [sflag:s4], $0x0  }
0x19: {  	s7 =	sld [smem:$0x3F91]  }
0x1a: {  	s8 =	sadd.s32 $0xFFFFE003, lr  }
0x1b: {  	s9 =	sadd.s32 $0xFFFFFEF7, lr;
	s5 =	simm.s32 $0xFFFFFFFF;
	p2 =	slt.u32 s8, $0xFFFFF086  }
0x1c: {  	p1 =	slt.u32 s9, $0xF7A;
	s5 =	simm.s32 @!p2 $0x0  }
0x1d: {  	s5 =	simm.s32 @p1 $0x1;
	p0 =	seq.s32 s7, s2  }
0x1e: {  	s7 =	smul.u32 @!p0 $0xF7A, s2;
	p2 =	seq.s32 @!p0 s5, $0x0  }
0x1f: {  	s9 =	smul.u32 $0xF7A, s1;
	s8 =	simm.s32 @!p0 $0x1BF5;
	p2 =	por !p2, p0  }
0x20: {  	[sflag:s8] =	ssyncset.s32 @!p0 $0xFFFFF086;
	s6 =	sadd.s32 @!p0 s3, s7;
	s7 =	simm.s32 @!p0 $0x108  }
0x21: {  	s3 =	sadd.s32 s3, s9;
	s6 =	sadd.s32 @!p0 $0x88, s6;
	s7 =	simm.s32 @p2 $0x1082  }
0x22: {  	[simem:s7], [sflag:s8] =	dma.local @!p0 [hbm:s6], $0xF7A  }
0x23: {  	s9 =	sor.u32 $0xD0000000, s2;
	s6 =	simm.s32 $0x108;
	_ =	swait.ge @!p0 [sflag:s8], $0x0  }
0x24: {  	s3 =	sadd.s32 $0x88, s3;
	s6 =	simm.s32 @!p1 $0x1082;
	[sflag:s4] =	ssyncset.s32 $0xFFFFF086  }
0x25: {  	[simem:s6], [sflag:s4] =	dma.local [hbm:s3], $0xF7A  }
0x26: {  	[smem:$0x3F91] =	sst s1;
	(tag) =	ssettag s2;
	_ =	strace s9  }
0x27: {  	s1 =	sld [smem:$0x3FA1]  }
0x28: {  	s2 =	sld [smem:$0x3FA2]  }
0x29: {  	s4 =	sld [smem:$0x3FA4]  }
0x2a: {  	p0 =	seq.s32 s5, $0x0;
	s5 =	sld [smem:$0x3FA5]  }
0x2b: {  	s6 =	sld [smem:$0x3FA6]  }
0x2c: {  	s7 =	sld [smem:$0x3FA7]  }
0x2d: {  	s3 =	simm.s32 $0x108;
	s8 =	sld [smem:$0x3FA8]  }
0x2e: {  	s3 =	simm.s32 @!p0 $0x1082;
	s9 =	sld [smem:$0x3FA9]  }
0x2f: {  	lr =	sadd.s32 s0, s3;
	s0 =	sld [smem:$0x3FA0]  }
0x30: {  	s3 =	sld [smem:$0x3FA3]  }
0x31: {  	[smem:$0x3FAC] =	sst s10  }
0x32: {  	s10 =	sld [smem:$0x3FAA];
	_ =	sdelay $0x3  }
0x33: {  	p0 =	seq.s32 s10, $0x1;
	s10 =	sld [smem:$0x3FAC];
	_ =	sdelay $0x3  }
0x34: {  	[smem:$0x3FAC] =	sst s10  }
0x35: {  	s10 =	sld [smem:$0x3FAB];
	_ =	sdelay $0x3  }
0x36: {  	p1 =	seq.s32 s10, $0x1;
	s10 =	sld [smem:$0x3FAC];
	_ =	sdelay $0x3  }
0x37: {  	[smem:$0x3FAC] =	sst s10  }
0x38: {  	s10 =	sld [smem:$0x3FAD]  }
0x39: {  	_ = 	snop;
	(pc) =	sbr.ind lr, $3  }
0x3a: {  	_ = 	snop  }
0x3b: {  	_ = 	snop  }
0x3c: {  	p2 =	seq.s32 s10, $0x1;
	s10 =	sld [smem:$0x3FAC]  }
0x3d: {  	_ =	shalt  }
0x3e: {  	_ =	shalt  }
0x3f: {  	_ =	shalt  }
0x40: {  	_ =	shalt  }
0x41: {  	_ =	shalt  }
0x42: {  	_ =	shalt  }
0x43: {  	_ =	shalt  }
0x44: {  	_ =	shalt  }
0x45: {  	_ =	shalt  }
0x46: {  	_ =	shalt  }
0x47: {  	_ =	shalt  }
0x48: {  	_ =	shalt  }
0x49: {  	_ =	shalt  }
0x4a: {  	_ =	shalt  }
0x4b: {  	_ =	shalt  }
0x4c: {  	_ =	shalt  }
0x4d: {  	_ =	shalt  }
0x4e: {  	_ =	shalt  }
0x4f: {  	_ =	shalt  }
0x50: {  	_ =	shalt  }
0x51: {  	_ =	shalt  }
0x52: {  	_ =	shalt  }
0x53: {  	_ =	shalt  }
0x54: {  	_ =	shalt  }
0x55: {  	_ =	shalt  }
0x56: {  	_ =	shalt  }
0x57: {  	_ =	shalt  }
0x58: {  	_ =	shalt  }
0x59: {  	_ =	shalt  }
0x5a: {  	_ =	shalt  }
0x5b: {  	_ =	shalt  }
0x5c: {  	_ =	shalt  }
0x5d: {  	_ =	shalt  }
0x5e: {  	_ =	shalt  }
0x5f: {  	_ =	shalt  }
0x60: {  	_ =	shalt  }
0x61: {  	_ =	shalt  }
0x62: {  	_ =	shalt  }
0x63: {  	_ =	shalt  }
0x64: {  	_ =	shalt  }
0x65: {  	_ =	shalt  }
0x66: {  	_ =	shalt  }
0x67: {  	_ =	shalt  }
0x68: {  	_ =	shalt  }
0x69: {  	_ =	shalt  }
0x6a: {  	_ =	shalt  }
0x6b: {  	_ =	shalt  }
0x6c: {  	_ =	shalt  }
0x6d: {  	_ =	shalt  }
0x6e: {  	_ =	shalt  }
0x6f: {  	_ =	shalt  }
0x70: {  	_ =	shalt  }
0x71: {  	_ =	shalt  }
0x72: {  	_ =	shalt  }
0x73: {  	_ =	shalt  }
0x74: {  	_ =	shalt  }
0x75: {  	_ =	shalt  }
0x76: {  	_ =	shalt  }
0x77: {  	_ =	shalt  }
0x78: {  	_ =	shalt  }
0x79: {  	_ =	shalt  }
0x7a: {  	_ =	shalt  }
0x7b: {  	_ =	shalt  }
0x7c: {  	_ =	shalt  }
0x7d: {  	_ =	shalt  }
0x7e: {  	_ =	shalt  }
0x7f: {  	_ =	shalt  }
0x80: {  	_ =	shalt  }
0x81: {  	_ =	shalt  }
0x82: {  	_ =	shalt  }
0x83: {  	_ =	shalt  }
0x84: {  	_ =	shalt  }
0x85: {  	_ =	shalt  }
0x86: {  	_ =	shalt  }
0x87: {  	_ =	shalt  }
.Lfunc_end0:
.L_simem_size_0:
called_computation_lowered:
.L_overlay_start_0:
0x88: {  	s2 =	sld [smem:$0x3FD9]  }
0x89: {  	s3 =	sld [smem:$0x3FFE];
	_ =	sdelay $0x1  }
0x8a: {  	s1 =	srdreg.scid  }
0x8b: {  	s0 =	sand.u32 $0x1, s1  }
0x8c: {  	s14 =	sshll.u32 s0, $0xA;
	s2 =	sadd.s32 s3, s2  }
0x8d: {  	s2 =	sadd.s32 s2, s14  }
0x8e: {  	[smem:$0x3FB8] =	sst s2  }
0x8f: {  	_ = 	snop  }
0x90: {  	s2 =	sld [smem:$0x3FD0];
	_ =	sdelay $0x2  }
0x91: {  	s15 =	simm.s32 $0xA;
	s4 =	simm.s32 $0x10  }
0x92: {  	[smem:s4], [sflag:s15] =	dma.local [hbm:s2], $0x1  }
0x93: {  	_ =	swait.eq [sflag:s15], $0x1  }
0x94: {  	[sflag:s15] =	ssyncset.done $0x0  }
0x95: {  	s16 =	sld [smem:$0x10];
	[sflag:s15] =	ssyncadd.s32 $0xFFFFFFFF  }
0x96: {  	s17 =	sld [smem:$0x11];
	(tm) =	ssettm $0x1  }
0x97: {  	s18 =	sld [smem:$0x3FFB];
	_ =	sdelay $0x3  }
0x98: {  	_ =	strace s18  }
0x99: {  	s4 =	sld [smem:$0x3FFC];
	_ =	sdelay $0x3  }
0x9a: {  	_ =	strace s4  }
0x9b: {  	s4 =	sld [smem:$0x3FFD];
	_ =	sdelay $0x3  }
0x9c: {  	_ =	strace s4  }
0x9d: {  	_ =	strace $0x8FFFFFFF  }
0x9e: {  	s19 =	sld [smem:$0x3FDB];
	_ =	sdelay $0x1  }
0x9f: {  	s5 =	simm.s32 $_scs_section_size  }
0xa0: {  	s6 =	simm.s32 $_size__tile_overlayer_lowered;
	s7 =	simm.s32 $_tile_overlayer_lowered  }
0xa1: {  	s22 =	simm.s32 $0x1BFF;
	s21 =	sshll.u32 s7, $0x1;
	s4 =	sadd.s32 s5, s19  }
0xa2: {  	s8 =	simm.s32 $0x0;
	s20 =	sshll.u32 s6, $0x1;
	s6 =	sadd.s32 s21, s4  }
0xa3: {  	[timem:s8], [sflag:s22] =	dma.local [hbm:s6], s20  }
0xa4: {  	_ =	swait.ge [sflag:s22], s20  }
0xa5: {  	s5 =	ssub.s32 $0x0, s20;
	[sflag:s22] =	ssyncset.done $0x0  }
0xa6: {  	[sflag:s22] =	ssyncadd.s32 s5;
	_ =	sdelay $0x1  }
0xa7: {  	s23 =	simm.s32 $0x1B8B  }
0xa8: {  	_ =	swait.ge [sflag:s23], $0x1  }
0xa9: {  	[sflag:s23] =	ssyncset.done $0x0  }
0xaa: {  	s25 =	simm.s32 $0x1B8E;
	s24 =	sld [smem:$0x3FFE];
	[sflag:s23] =	ssyncadd.s32 $0xFFFFFFFF  }
0xab: {  	s26 =	simm.s32 $execute0_lowered;
	[smem:$0x3FD2] =	sst s25  }
0xac: {  	s6 =	sshll.u32 s26, $0x1;
	_ =	strace $0x80000046;
	[dreg:$0x1] =	wrdreg $0xFFFFFFFF  }
0xad: {  	s28 =	simm.s32 $_size_execute0_lowered;
	s4 =	sadd.s32 s4, s6;
	[dreg:$0x0] =	wrdreg $0x0  }
0xae: {  	s6 =	sshll.u32 s28, $0x1;
	[dreg:$0x2] =	wrdreg s4  }
0xaf: {  	[dreg:$0x3] =	wrdreg s6  }
0xb0: {  	[dreg:$0x4] =	wrdreg $0xC0  }
0xb1: {  	_ =	task [dreg:s8], $0x5FFFF  }
0xb2: {  	[dreg:$0x1] =	wrdreg $0xFFFFFFFF  }
0xb3: {  	[dreg:$0x0] =	wrdreg $0x60  }
0xb4: {  	[dreg:$0x2] =	wrdreg s16  }
0xb5: {  	[dreg:$0x3] =	wrdreg s24  }
0xb6: {  	[dreg:$0x4] =	wrdreg s17  }
0xb7: {  	[dreg:$0x5] =	wrdreg $0x0  }
0xb8: {  	[dreg:$0x6] =	wrdreg $0x9C400  }
0xb9: {  	[dreg:$0x7] =	wrdreg $0x9  }
0xba: {  	_ =	task.clear_ibuf [dreg:s8], $0x8FFFF;
	_ =	strace $0x90000046  }
0xbb: {  	s29 =	simm.s32 $0x9;
	_ =	strace $0x80000048  }
0xbc: {  	_ =	swait.ge [sflag:s29], $0x1  }
0xbd: {  	[sflag:s29] =	ssyncadd.s32 $0xFFFFFFFF  }
0xbe: {  	_ =	strace $0x90000048  }
0xbf: {  	_ =	sfence  }
0xc0: {  	s30 =	sld [smem:$0x0];
	_ =	sdelay $0x2  }
0xc1: {  	s31 =	sshll.u32 s1, $0xD;
	s1 =	sshrl.u32 s1, $0x2  }
0xc2: {  	s3 =	sand.u32 $0x4000, s31;
	s1 =	sadd.s32 s1, s30  }
0xc3: {  	s0 =	sor.u32 s3, s0;
	s1 =	sshll.u32 s1, $0x11  }
0xc4: {  	s0 =	sor.u32 s1, s0  }
0xc5: {  	s0 =	sadd.s32 $0x8F2B, s0  }
0xc6: {  	[sflag:s0] =	ssyncadd.remote.s32 $0x1  }
0xc7: {  	_ =	sfence.sel $0xFFFF  }
0xc8: {  	[dreg:$0x0] =	wrdreg $0xFFFFFFFF;
	(pc) =	sbr.abs _section_cstart, $3  }
0xc9: {  	[dreg:$0x1] =	wrdreg $0xFFFFFFFF  }
0xca: {  	_ =	task.clear_ibuf [dreg:s8], $0x2FFFF;
	_ =	strace $0x9FFFFFFF  }
0xcb: {  	(tm) =	ssettm $0x7FFFFFFF  }
tec
execute0_lowered:
.L_overlay_start_1:
0x0: {  	(tag) =	ssettag $0x1  }
0x1: {  	s1 =	rddreg [dreg:$0x0]  }
0x2: {  	s0 =	rddreg [dreg:$0x1]  }
0x3: {  	s4 =	rddreg [dreg:$0x3]  }
0x4: {  	s5 =	rddreg [dreg:$0x4];
	s2 =	simm.s32 $0x0  }
0x5: {  	s13 =	stileid.u32;
	s6 =	srdreg.scid;
	s28 =	simm.s32 $0x7D  }
0x6: {  	s29 =	simm.s32 $0x122F0;
	s31 =	simm.s32 $0x14230;
	s22 =	smul.u32 $0x500, s13  }
0x7: {  	s30 =	simm.s32 $0xA;
	[smem:$0x7FF] =	sst s2;
	s23 =	smul.u32 $0x1388, s13  }
0x8: {  	s3 =	sadd.s32 $0x7000, s0;
	s7 =	sadd.s32 $0x1B400, s0;
	s12 =	smul.u32 $0x27100, s13  }
0x9: {  	s6 =	sand.u32 $0x1, s6;
	s8 =	sadd.s32 $0x1B000, s0;
	s24 =	smul.u32 $0x50, s13  }
0xa: {  	s26 =	smul.u32 $0x271, s13;
	_ =	strace $0x80000047;
	[dreg:$0x6] =	wrdreg s7  }
0xb: {  	[dreg:$0x7] =	wrdreg s8;
	s8 =	sadd.s32 $0x1E000, s0;
	s9 =	ssub.s32 $0x2, s6  }
0xc: {  	s13 =	smul.u32 $0x500, s6;
	s15 =	sor.u32 $0x2, s6;
	p0 =	sne.s32 s6, $0x0  }
0xd: {  	s2 =	sadd.s32 s22, s0;
	s10 =	sshrl.u32 s23, $0x3;
	s11 =	sshrl.u32 s9, $0x1  }
0xe: {  	s12 =	sshrl.u32 s12, $0x2;
	s14 =	smul.u32 $0x500, s15;
	s7 =	sadd.s32 s23, s5  }
0xf: {  	s0 =	sadd.s32 s10, s0;
	s2 =	sadd.s32 $0x2000, s2;
	[dreg:$0xe] =	wrdreg s7  }
0x10: {  	s9 =	ssub.s32 s9, s11;
	s25 =	sadd.s32 s12, s4;
	[dreg:$0x8] =	wrdreg s2  }
0x11: {  	s12 =	sadd.s32 s24, s13;
	s10 =	sadd.s32 $0x1F40, s25;
	[dreg:$0x9] =	wrdreg s25  }
0x12: {  	s13 =	smul.u32 $0x2710, s15;
	s16 =	sadd.s32 $0x3E80, s25;
	[dreg:$0xa] =	wrdreg s10  }
0x13: {  	s17 =	sadd.s32 $0x5DC0, s25;
	s11 =	sadd.s32 s24, s14;
	[dreg:$0xb] =	wrdreg s16  }
0x14: {  	s18 =	sadd.s32 $0x7D00, s25;
	s19 =	sshll.u32 s12, $0x4;
	[dreg:$0xc] =	wrdreg s17  }
0x15: {  	s0 =	sadd.s32 $0x1B800, s0;
	s16 =	smul.u32 $0x2710, s6;
	[dreg:$0xd] =	wrdreg s18  }
0x16: {  	s7 =	sadd.s32 s3, s19;
	s2 =	sadd.s32 s26, s13;
	s22 =	sshll.u32 s11, $0x4  }
0x17: {  	[dreg:$0x11] =	wrdreg s0;
	s17 =	simm.s32 $0x4;
	s18 =	simm.s32 $0x5  }
0x18: {  	s0 =	simm.s32 $0x8;
	s19 =	simm.s32 $0x9;
	s6 =	simm.s32 $0x0  }
0x19: {  	[dreg:$0xf] =	wrdreg s7;
	s2 =	sshll.u32 s2, $0x3;
	s23 =	sadd.s32 s3, s22  }
0x1a: {  	s22 =	simm.s32 $0xAFC8;
	s3 =	simm.s32 $0xD;
	s20 =	sadd.s32 s26, s16  }
0x1b: {  	[dreg:$0x12] =	wrdreg s23;
	s24 =	sadd.s32 s8, s2;
	s26 =	smax.u32 s9, $0x1  }
.Ltmp0:
0x1c: {  	s23 =	simm.s32 $0x10;
	s2 =	simm.s32 $0x16170;
	(pc) =	sbr.rel .LBB2_1-.Ltmp0, $4  }
0x1d: {  	s9 =	simm.s32 $0x19FF0;
	s16 =	simm.s32 $0x2;
	[dreg:$0x13] =	wrdreg s24  }
0x1e: {  	s21 =	sshll.u32 s20, $0x3;
	[dreg:$0x14] =	wrdreg s26;
	s24 =	simm.s32 $0xB3B0  }
0x1f: {  	s20 =	simm.s32 $0xE;
	s7 =	sadd.s32 s8, s21;
	s8 =	simm.s32 $0x1  }
0x20: {  	s21 =	simm.s32 $0x7;
	[dreg:$0x10] =	wrdreg s7;
	s7 =	simm.s32 $0x180B0  }
.LBB2_7:
0x21: {  	_ =	swait.ge [sflag:s18], $0x1F40  }
0x22: {  	[sflag:s18] =	ssyncset.done $0x0  }
0x23: {  	s10 =	simm.s32 $0x12270;
	s15 =	simm.s32 $0x6;
	[sflag:s18] =	ssyncadd.s32 $0xFFFFE0C0  }
0x24: {  	[spmem:s4] =	stream.indirect.scatter.add.f32 [tilespmem:s9], [sflag:$0xA], $0x40, s10, s28, $0xb8;
	[tilespmem:$0x1BF30] =	vst v63  }
0x25: {  	_ =	swait.ge [sflag:s15], $0x1F40  }
0x26: {  	[sflag:s15] =	ssyncset.done $0x0  }
0x27: {  	[sflag:s15] =	ssyncadd.s32 $0xFFFFE0C0  }
0x28: {  	_ =	swait.ge [sflag:s21], $0x1F40  }
0x29: {  	[sflag:s21] =	ssyncset.done $0x0  }
0x2a: {  	[sflag:s21] =	ssyncadd.s32 $0xFFFFE0C0  }
0x2b: {  	_ =	swait.ge [sflag:s0], $0x1F40  }
0x2c: {  	[sflag:s0] =	ssyncset.done $0x0  }
0x2d: {  	[sflag:s0] =	ssyncadd.s32 $0xFFFFE0C0  }
0x2e: {  	_ =	swait.ge [sflag:s19], $0x1F40  }
0x2f: {  	[sflag:s19] =	ssyncset.done $0x0  }
0x30: {  	[sflag:s19] =	ssyncadd.s32 $0xFFFFE0C0  }
0x31: {  	_ =	swait.ge [sflag:s30], $0x1F40  }
0x32: {  	[sflag:s30] =	ssyncset.done $0x0  }
0x33: {  	[sflag:s30] =	ssyncadd.s32 $0xFFFFE0C0  }
0x34: {  	[bflag:$0x0] =	sbarrier.arrive $0xFFFF  }
0x35: {  	s25 =	rddreg [dreg:$0x13]  }
0x36: {  	[hbm:s25], [sflag:s11] =	dma.local [spmem:s12], $0x1388  }
0x37: {  	_ =	swait.ge [sflag:s23], $0x1388  }
0x38: {  	s6 =	sadd.s32 $0x1, s6;
	s26 =	rddreg [dreg:$0x14]  }
0x39: {  	p1 =	sne.s32 s6, s26  }
.Ltmp1:
0x3a: {  	_ = 	snop;
	(pc) =	sbr.rel @!p1 .LBB2_8-.Ltmp1, $3  }
0x3b: {  	_ =	sdelay $0x1  }
0x3c: {  	[sflag:s23] =	ssyncset.done $0x0  }
0x3d: {  	s25 =	rddreg [dreg:$0x9];
	[sflag:s23] =	ssyncadd.s32 $0xFFFFEC78  }
.LBB2_1:
0x3e: {  	s10 =	rddreg [dreg:$0x2];
	s13 =	simm.s32 $0x0  }
0x3f: {  	[tilespmem:s22], [sflag:$0x10] =	stream.linear.gather [hbm4b:s10+s13], $0x3E8, $0x38;
	[tilespmem:$0x1BF30] =	vst v63  }
0x40: {  	_ =	swait.ge [sflag:s23], $0x3E8  }
0x41: {  	[sflag:s23] =	ssyncset.done $0x0  }
0x42: {  	s15 =	rddreg [dreg:$0x6];
	[sflag:s23] =	ssyncadd.s32 $0xFFFFFC18  }
0x43: {  	[tilespmem:s24], [sflag:$0x10] =	stream.linear.gather [hbm4b:s15+s13], $0x1F40, $0x38;
	[tilespmem:$0x1BF30] =	vst v63  }
0x44: {  	_ =	swait.ge [sflag:s23], $0x1F40  }
0x45: {  	[sflag:s23] =	ssyncset.done $0x0  }
0x46: {  	s11 =	simm.s32 $0xFAF0;
	s26 =	rddreg [dreg:$0x8];
	[sflag:s23] =	ssyncadd.s32 $0xFFFFE0C0  }
0x47: {  	[tilespmem:s11], [sflag:$0x10] =	stream.linear.gather [hbm4b:s26+s13], $0x2800, $0x38;
	[tilespmem:$0x1BF30] =	vst v63  }
0x48: {  	_ =	swait.ge [sflag:s23], $0x2800  }
0x49: {  	[sflag:s23] =	ssyncset.done $0x0  }
0x4a: {  	[sflag:s23] =	ssyncadd.s32 $0xFFFFD800  }
0x4b: {  	[spmem:s25] =	stream.linear.scatter [tilespmem:s24], [sflag:$0x10], $0x1F40, $0x38;
	[tilespmem:$0x1BF30] =	vst v63  }
0x4c: {  	_ =	swait.ge [sflag:s23], $0x1F40  }
0x4d: {  	[sflag:s23] =	ssyncset.done $0x0  }
0x4e: {  	s11 =	rddreg [dreg:$0xa];
	[sflag:s23] =	ssyncadd.s32 $0xFFFFE0C0  }
0x4f: {  	[spmem:s11] =	stream.linear.scatter [tilespmem:s24], [sflag:$0x10], $0x1F40, $0x38;
	[tilespmem:$0x1BF30] =	vst v63  }
0x50: {  	_ =	swait.ge [sflag:s23], $0x1F40  }
0x51: {  	[sflag:s23] =	ssyncset.done $0x0  }
0x52: {  	s12 =	rddreg [dreg:$0xb];
	[sflag:s23] =	ssyncadd.s32 $0xFFFFE0C0  }
0x53: {  	[spmem:s12] =	stream.linear.scatter [tilespmem:s24], [sflag:$0x10], $0x1F40, $0x38;
	[tilespmem:$0x1BF30] =	vst v63  }
0x54: {  	_ =	swait.ge [sflag:s23], $0x1F40  }
0x55: {  	[sflag:s23] =	ssyncset.done $0x0  }
0x56: {  	s14 =	rddreg [dreg:$0xc];
	[sflag:s23] =	ssyncadd.s32 $0xFFFFE0C0  }
0x57: {  	[spmem:s14] =	stream.linear.scatter [tilespmem:s24], [sflag:$0x10], $0x1F40, $0x38;
	[tilespmem:$0x1BF30] =	vst v63  }
0x58: {  	_ =	swait.ge [sflag:s23], $0x1F40  }
0x59: {  	[sflag:s23] =	ssyncset.done $0x0  }
0x5a: {  	s26 =	stileid.u32;
	s15 =	rddreg [dreg:$0xd];
	[sflag:s23] =	ssyncadd.s32 $0xFFFFE0C0  }
0x5b: {  	[spmem:s15] =	stream.linear.scatter [tilespmem:s24], [sflag:$0x10], $0x1F40, $0x38;
	[tilespmem:$0x1BF30] =	vst v63  }
0x5c: {  	s10 =	sshll.u32 s26, $0x6;
	_ =	swait.ge [sflag:s23], $0x1F40  }
0x5d: {  	s11 =	sor.u32 $0x1C10, s10;
	[sflag:s23] =	ssyncset.done $0x0;
	s12 =	rddreg [dreg:$0xe]  }
0x5e: {  	s14 =	rddreg [dreg:$0x7];
	[sflag:s23] =	ssyncadd.s32 $0xFFFFE0C0;
	s12 =	sshrl.u32 s12, $0x3  }
0x5f: {  	[spmem:s12], [sflag:s11] =	dma.local [hbm:s14], $0x271  }
0x60: {  	_ =	swait.ge [sflag:s23], $0x271  }
0x61: {  	[sflag:s23] =	ssyncset.done $0x0  }
0x62: {  	s26 =	simm.s32 $0xD2F0;
	s15 =	rddreg [dreg:$0xf];
	[sflag:s23] =	ssyncadd.s32 $0xFFFFFD8F  }
0x63: {  	[tilespmem:s26], [sflag:$0x10] =	stream.linear.gather [hbm4b:s15+s13], $0x2800, $0x38;
	[tilespmem:$0x1BF30] =	vst v63  }
0x64: {  	_ =	swait.ge [sflag:s23], $0x2800  }
0x65: {  	[sflag:s23] =	ssyncset.done $0x0  }
0x66: {  	[sflag:s23] =	ssyncadd.s32 $0xFFFFD800  }
0x67: {  	[bflag:$0x0] =	sbarrier.arrive $0xFFFF  }
0x68: {  	[tilespmem:s29], [sflag:$0x1] =	stream.indirect.gather [hbm4b:s1+s28], $0x40, s26, s28, $0xb8;
	[tilespmem:$0x1BF30] =	vst v63  }
0x69: {  	s14 =	simm.s32 $0xD370  }
0x6a: {  	[tilespmem:s31], [sflag:$0x2] =	stream.indirect.gather [hbm4b:s1+s28], $0x40, s14, s28, $0xb8;
	[tilespmem:$0x1BF30] =	vst v63  }
0x6b: {  	s15 =	simm.s32 $0xD3F0  }
0x6c: {  	[tilespmem:s2], [sflag:$0x3] =	stream.indirect.gather [hbm4b:s1+s28], $0x40, s15, s28, $0xb8;
	[tilespmem:$0x1BF30] =	vst v63  }
0x6d: {  	s12 =	simm.s32 $0x0;
	s26 =	simm.s32 $0xD470  }
0x6e: {  	[tilespmem:s7], [sflag:$0x4] =	stream.indirect.gather [hbm4b:s1+s28], $0x40, s26, s28, $0xb8;
	[tilespmem:$0x1BF30] =	vst v63  }
.LBB2_2:
0x6f: {  	_ =	swait.ge [sflag:s8], $0x1F40  }
0x70: {  	s13 =	sshra.s32 s12, $0x2;
	[sflag:s8] =	ssyncset.done $0x0  }
0x71: {  	s14 =	sadd.s32 $0xFAF0, s13;
	[sflag:s8] =	ssyncadd.s32 $0xFFFFE0C0  }
0x72: {  	[spmem:s4] =	stream.indirect.scatter.add.f32 [tilespmem:s29], [sflag:$0x6], $0x40, s14, s28, $0xb8;
	[tilespmem:$0x1BF30] =	vst v63  }
0x73: {  	p1 =	seq.s32 s12, $0x0  }
0x74: {  	[spmem:s5] =	stream.indirect.scatter.add.f32 [tilespmem:s22], [sflag:$0xB], $0x8, s14, s28, $0xb8;
	[tilespmem:$0x1BF30] =	vst v63  }
0x75: {  	s14 =	simm.s32 @!p1 $0xA  }
0x76: {  	_ =	swait.ge @!p1 [sflag:s14], $0x1F40  }
0x77: {  	[sflag:s14] =	ssyncset.done @!p1 $0x0  }
0x78: {  	[sflag:s14] =	ssyncadd.s32 @!p1 $0xFFFFE0C0;
	s14 =	simm.s32 @!p1 $0xF  }
0x79: {  	s15 =	sshra.s32 @!p1 s12, $0x2;
	_ =	swait.ge @!p1 [sflag:s14], $0x3E8  }
0x7a: {  	s15 =	sadd.s32 @!p1 $0xD4F0, s15;
	[sflag:s14] =	ssyncset.done @!p1 $0x0  }
0x7b: {  	s15 =	simm.s32 @p1 $0xD4F0;
	[sflag:s14] =	ssyncadd.s32 @!p1 $0xFFFFFC18  }
0x7c: {  	[tilespmem:s9], [sflag:$0x5] =	stream.indirect.gather [hbm4b:s1+s28], $0x40, s15, s28, $0xb8;
	[tilespmem:$0x1BF30] =	vst v63  }
0x7d: {  	_ =	swait.ge [sflag:s16], $0x1F40  }
0x7e: {  	[sflag:s16] =	ssyncset.done $0x0  }
0x7f: {  	p1 =	seq.s32 s12, $0x9600;
	s15 =	sadd.s32 $0xFB70, s13;
	[sflag:s16] =	ssyncadd.s32 $0xFFFFE0C0  }
0x80: {  	[spmem:s4] =	stream.indirect.scatter.add.f32 [tilespmem:s31], [sflag:$0x7], $0x40, s15, s28, $0xb8;
	[tilespmem:$0x1BF30] =	vst v63  }
0x81: {  	s14 =	simm.s32 @p1 $0x3  }
0x82: {  	[spmem:s5] =	stream.indirect.scatter.add.f32 [tilespmem:s22], [sflag:$0xC], $0x8, s15, s28, $0xb8;
	[tilespmem:$0x1BF30] =	vst v63  }
0x83: {  	_ =	swait.ge @p1 [sflag:s14], $0x1F40  }
0x84: {  	[sflag:s14] =	ssyncset.done @p1 $0x0  }
0x85: {  	[sflag:s14] =	ssyncadd.s32 @p1 $0xFFFFE0C0;
	s14 =	sshra.s32 @p1 s12, $0x2  }
0x86: {  	s26 =	simm.s32 @p1 $0x16170;
	s15 =	simm.s32 @p1 $0x7D;
	s14 =	sadd.s32 @p1 $0xFBF0, s14  }
0x87: {  	[spmem:s4] =	stream.indirect.scatter.add.f32 @p1 [tilespmem:s26], [sflag:$0x8], $0x40, s14, s15, $0xb8;
	[tilespmem:$0x1BF30] =	vst v63  }
0x88: {  	s26 =	simm.s32 @p1 $0xAFC8  }
0x89: {  	[spmem:s5] =	stream.indirect.scatter.add.f32 @p1 [tilespmem:s26], [sflag:$0xD], $0x8, s14, s15, $0xb8;
	[tilespmem:$0x1BF30] =	vst v63  }
0x8a: {  	s14 =	simm.s32 @!p1 $0x6  }
0x8b: {  	_ =	swait.ge @!p1 [sflag:s14], $0x1F40  }
0x8c: {  	[sflag:s14] =	ssyncset.done @!p1 $0x0  }
0x8d: {  	[sflag:s14] =	ssyncadd.s32 @!p1 $0xFFFFE0C0;
	s14 =	simm.s32 @!p1 $0xB  }
0x8e: {  	_ =	swait.ge @!p1 [sflag:s14], $0x3E8  }
0x8f: {  	[sflag:s14] =	ssyncset.done @!p1 $0x0  }
0x90: {  	[sflag:s14] =	ssyncadd.s32 @!p1 $0xFFFFFC18;
	s14 =	sshra.s32 @!p1 s12, $0x2  }
0x91: {  	s10 =	simm.s32 @!p1 $0x122F0;
	s26 =	simm.s32 @!p1 $0x7D;
	s15 =	sadd.s32 @!p1 $0xD570, s14  }
0x92: {  	[tilespmem:s10], [sflag:$0x1] =	stream.indirect.gather @!p1 [hbm4b:s1+s26], $0x40, s15, s26, $0xb8;
	[tilespmem:$0x1BF30] =	vst v63  }
0x93: {  	s10 =	simm.s32 @!p1 $0x3  }
0x94: {  	_ =	swait.ge @!p1 [sflag:s10], $0x1F40  }
0x95: {  	[sflag:s10] =	ssyncset.done @!p1 $0x0  }
0x96: {  	s15 =	simm.s32 @!p1 $0x16170;
	[sflag:s10] =	ssyncadd.s32 @!p1 $0xFFFFE0C0;
	s10 =	sadd.s32 @!p1 $0xFBF0, s14  }
0x97: {  	[spmem:s4] =	stream.indirect.scatter.add.f32 @!p1 [tilespmem:s15], [sflag:$0x8], $0x40, s10, s26, $0xb8;
	[tilespmem:$0x1BF30] =	vst v63  }
0x98: {  	s15 =	simm.s32 @!p1 $0xAFC8  }
0x99: {  	[spmem:s5] =	stream.indirect.scatter.add.f32 @!p1 [tilespmem:s15], [sflag:$0xD], $0x8, s10, s26, $0xb8;
	[tilespmem:$0x1BF30] =	vst v63  }
0x9a: {  	s10 =	simm.s32 @!p1 $0x7  }
0x9b: {  	_ =	swait.ge @!p1 [sflag:s10], $0x1F40  }
0x9c: {  	[sflag:s10] =	ssyncset.done @!p1 $0x0  }
0x9d: {  	[sflag:s10] =	ssyncadd.s32 @!p1 $0xFFFFE0C0;
	s10 =	simm.s32 @!p1 $0xC  }
0x9e: {  	_ =	swait.ge @!p1 [sflag:s10], $0x3E8  }
0x9f: {  	[sflag:s10] =	ssyncset.done @!p1 $0x0  }
0xa0: {  	[sflag:s10] =	ssyncadd.s32 @!p1 $0xFFFFFC18;
	s10 =	sadd.s32 @!p1 $0xD5F0, s14;
	s14 =	simm.s32 @!p1 $0x14230  }
0xa1: {  	[tilespmem:s14], [sflag:$0x2] =	stream.indirect.gather @!p1 [hbm4b:s1+s26], $0x40, s10, s26, $0xb8;
	[tilespmem:$0x1BF30] =	vst v63  }
0xa2: {  	_ =	swait.ge [sflag:s17], $0x1F40  }
.Ltmp2:
0xa3: {  	[sflag:s17] =	ssyncset.done $0x0;
	(pc) =	sbr.rel @p1 .LBB2_4-.Ltmp2, $4  }
0xa4: {  	s26 =	sadd.s32 $0xFC70, s13;
	[sflag:s17] =	ssyncadd.s32 $0xFFFFE0C0  }
0xa5: {  	[spmem:s4] =	stream.indirect.scatter.add.f32 [tilespmem:s7], [sflag:$0x9], $0x40, s26, s28, $0xb8;
	[tilespmem:$0x1BF30] =	vst v63  }
0xa6: {  	_ = 	snop  }
0xa7: {  	[spmem:s5] =	stream.indirect.scatter.add.f32 [tilespmem:s22], [sflag:$0xE], $0x8, s26, s28, $0xb8;
	[tilespmem:$0x1BF30] =	vst v63  }
0xa8: {  	_ =	swait.ge [sflag:s0], $0x1F40  }
0xa9: {  	[sflag:s0] =	ssyncset.done $0x0  }
0xaa: {  	[sflag:s0] =	ssyncadd.s32 $0xFFFFE0C0  }
0xab: {  	_ =	swait.ge [sflag:s3], $0x3E8  }
0xac: {  	[sflag:s3] =	ssyncset.done $0x0  }
0xad: {  	s10 =	sadd.s32 $0xD670, s13;
	[sflag:s3] =	ssyncadd.s32 $0xFFFFFC18  }
0xae: {  	[tilespmem:s2], [sflag:$0x3] =	stream.indirect.gather [hbm4b:s1+s28], $0x40, s10, s28, $0xb8;
	[tilespmem:$0x1BF30] =	vst v63  }
0xaf: {  	_ =	swait.ge [sflag:s18], $0x1F40  }
0xb0: {  	[sflag:s18] =	ssyncset.done $0x0  }
0xb1: {  	s15 =	sadd.s32 $0xFCF0, s13;
	[sflag:s18] =	ssyncadd.s32 $0xFFFFE0C0  }
0xb2: {  	[spmem:s4] =	stream.indirect.scatter.add.f32 [tilespmem:s9], [sflag:$0xA], $0x40, s15, s28, $0xb8;
	[tilespmem:$0x1BF30] =	vst v63  }
0xb3: {  	_ = 	snop  }
0xb4: {  	[spmem:s5] =	stream.indirect.scatter.add.f32 [tilespmem:s22], [sflag:$0xF], $0x8, s15, s28, $0xb8;
	[tilespmem:$0x1BF30] =	vst v63  }
0xb5: {  	_ =	swait.ge [sflag:s19], $0x1F40  }
0xb6: {  	[sflag:s19] =	ssyncset.done $0x0  }
.Ltmp3:
0xb7: {  	[sflag:s19] =	ssyncadd.s32 $0xFFFFE0C0;
	(pc) =	sbr.rel .LBB2_2-.Ltmp3, $4  }
0xb8: {  	_ =	swait.ge [sflag:s20], $0x3E8  }
0xb9: {  	[sflag:s20] =	ssyncset.done $0x0  }
0xba: {  	s26 =	sadd.s32 $0xD6F0, s13;
	s12 =	sadd.s32 $0xA00, s12;
	[sflag:s20] =	ssyncadd.s32 $0xFFFFFC18  }
0xbb: {  	[tilespmem:s7], [sflag:$0x4] =	stream.indirect.gather [hbm4b:s1+s28], $0x40, s26, s28, $0xb8;
	[tilespmem:$0x1BF30] =	vst v63  }
.LBB2_4:
0xbc: {  	_ =	swait.ge [sflag:s18], $0x1F40  }
0xbd: {  	[sflag:s18] =	ssyncset.done $0x0  }
0xbe: {  	s10 =	simm.s32 $0x12270;
	[sflag:s18] =	ssyncadd.s32 $0xFFFFE0C0  }
0xbf: {  	[spmem:s4] =	stream.indirect.scatter.add.f32 [tilespmem:s9], [sflag:$0xA], $0x40, s10, s28, $0xb8;
	[tilespmem:$0x1BF30] =	vst v63  }
0xc0: {  	s15 =	simm.s32 $0x6  }
0xc1: {  	[spmem:s5] =	stream.indirect.scatter.add.f32 [tilespmem:s22], [sflag:$0xF], $0x8, s10, s28, $0xb8;
	[tilespmem:$0x1BF30] =	vst v63  }
0xc2: {  	_ =	swait.ge [sflag:s15], $0x1F40  }
0xc3: {  	[sflag:s15] =	ssyncset.done $0x0  }
0xc4: {  	s26 =	simm.s32 $0xB;
	[sflag:s15] =	ssyncadd.s32 $0xFFFFE0C0  }
0xc5: {  	_ =	swait.ge [sflag:s26], $0x3E8  }
0xc6: {  	[sflag:s26] =	ssyncset.done $0x0  }
0xc7: {  	[sflag:s26] =	ssyncadd.s32 $0xFFFFFC18  }
0xc8: {  	_ =	swait.ge [sflag:s21], $0x1F40  }
0xc9: {  	[sflag:s21] =	ssyncset.done $0x0  }
0xca: {  	s12 =	simm.s32 $0xC;
	[sflag:s21] =	ssyncadd.s32 $0xFFFFE0C0  }
0xcb: {  	_ =	swait.ge [sflag:s12], $0x3E8  }
0xcc: {  	[sflag:s12] =	ssyncset.done $0x0  }
0xcd: {  	[sflag:s12] =	ssyncadd.s32 $0xFFFFFC18  }
0xce: {  	_ =	swait.ge [sflag:s0], $0x1F40  }
0xcf: {  	[sflag:s0] =	ssyncset.done $0x0  }
0xd0: {  	[sflag:s0] =	ssyncadd.s32 $0xFFFFE0C0  }
0xd1: {  	_ =	swait.ge [sflag:s3], $0x3E8  }
0xd2: {  	[sflag:s3] =	ssyncset.done $0x0  }
0xd3: {  	[sflag:s3] =	ssyncadd.s32 $0xFFFFFC18  }
0xd4: {  	_ =	swait.ge [sflag:s19], $0x1F40  }
0xd5: {  	[sflag:s19] =	ssyncset.done $0x0  }
0xd6: {  	[sflag:s19] =	ssyncadd.s32 $0xFFFFE0C0  }
0xd7: {  	_ =	swait.ge [sflag:s20], $0x3E8  }
0xd8: {  	[sflag:s20] =	ssyncset.done $0x0  }
0xd9: {  	[sflag:s20] =	ssyncadd.s32 $0xFFFFFC18  }
0xda: {  	_ =	swait.ge [sflag:s30], $0x1F40  }
0xdb: {  	[sflag:s30] =	ssyncset.done $0x0  }
0xdc: {  	s13 =	simm.s32 $0xF;
	[sflag:s30] =	ssyncadd.s32 $0xFFFFE0C0  }
0xdd: {  	_ =	swait.ge [sflag:s13], $0x3E8  }
0xde: {  	[sflag:s13] =	ssyncset.done $0x0  }
0xdf: {  	[sflag:s13] =	ssyncadd.s32 $0xFFFFFC18  }
0xe0: {  	[bflag:$0x0] =	sbarrier.arrive $0xFFFF  }
0xe1: {  	s12 =	sshrl.u32 s25, $0x3;
	s14 =	rddreg [dreg:$0x10]  }
0xe2: {  	[hbm:s14], [sflag:s11] =	dma.local [spmem:s12], $0x1388  }
0xe3: {  	_ =	swait.ge [sflag:s23], $0x1388  }
0xe4: {  	[sflag:s23] =	ssyncset.done $0x0;
	s10 =	rddreg [dreg:$0xe]  }
0xe5: {  	s13 =	rddreg [dreg:$0x11];
	[sflag:s23] =	ssyncadd.s32 $0xFFFFEC78;
	s10 =	sshrl.u32 @!p0 s10, $0x3  }
0xe6: {  	[hbm:s13], [sflag:s11] =	dma.local @!p0 [spmem:s10], $0x271  }
0xe7: {  	s10 =	simm.s32 @!p0 $0x10  }
0xe8: {  	_ =	swait.ge @!p0 [sflag:s10], $0x271  }
0xe9: {  	[sflag:s10] =	ssyncset.done @!p0 $0x0  }
0xea: {  	[sflag:s10] =	ssyncadd.s32 @!p0 $0xFFFFFD8F  }
0xeb: {  	[spmem:s25] =	stream.linear.scatter [tilespmem:s24], [sflag:$0x10], $0x1F40, $0x38;
	[tilespmem:$0x1BF30] =	vst v63  }
0xec: {  	_ =	swait.ge [sflag:s23], $0x1F40  }
0xed: {  	[sflag:s23] =	ssyncset.done $0x0  }
0xee: {  	s26 =	rddreg [dreg:$0xa];
	[sflag:s23] =	ssyncadd.s32 $0xFFFFE0C0  }
0xef: {  	[spmem:s26] =	stream.linear.scatter [tilespmem:s24], [sflag:$0x10], $0x1F40, $0x38;
	[tilespmem:$0x1BF30] =	vst v63  }
0xf0: {  	_ =	swait.ge [sflag:s23], $0x1F40  }
0xf1: {  	[sflag:s23] =	ssyncset.done $0x0  }
0xf2: {  	s13 =	rddreg [dreg:$0xb];
	[sflag:s23] =	ssyncadd.s32 $0xFFFFE0C0  }
0xf3: {  	[spmem:s13] =	stream.linear.scatter [tilespmem:s24], [sflag:$0x10], $0x1F40, $0x38;
	[tilespmem:$0x1BF30] =	vst v63  }
0xf4: {  	_ =	swait.ge [sflag:s23], $0x1F40  }
0xf5: {  	[sflag:s23] =	ssyncset.done $0x0  }
0xf6: {  	s14 =	rddreg [dreg:$0xc];
	[sflag:s23] =	ssyncadd.s32 $0xFFFFE0C0  }
0xf7: {  	[spmem:s14] =	stream.linear.scatter [tilespmem:s24], [sflag:$0x10], $0x1F40, $0x38;
	[tilespmem:$0x1BF30] =	vst v63  }
0xf8: {  	_ =	swait.ge [sflag:s23], $0x1F40  }
0xf9: {  	[sflag:s23] =	ssyncset.done $0x0  }
0xfa: {  	s25 =	rddreg [dreg:$0xd];
	[sflag:s23] =	ssyncadd.s32 $0xFFFFE0C0  }
0xfb: {  	[spmem:s25] =	stream.linear.scatter [tilespmem:s24], [sflag:$0x10], $0x1F40, $0x38;
	[tilespmem:$0x1BF30] =	vst v63  }
0xfc: {  	_ =	swait.ge [sflag:s23], $0x1F40  }
0xfd: {  	s13 =	simm.s32 $0x0;
	[sflag:s23] =	ssyncset.done $0x0  }
0xfe: {  	s14 =	simm.s32 $0xD2F0;
	s26 =	rddreg [dreg:$0x12];
	[sflag:s23] =	ssyncadd.s32 $0xFFFFE0C0  }
0xff: {  	[tilespmem:s14], [sflag:$0x10] =	stream.linear.gather [hbm4b:s26+s13], $0x2800, $0x38;
	[tilespmem:$0x1BF30] =	vst v63  }
0x100: {  	_ =	swait.ge [sflag:s23], $0x2800  }
0x101: {  	[sflag:s23] =	ssyncset.done $0x0  }
0x102: {  	[sflag:s23] =	ssyncadd.s32 $0xFFFFD800  }
0x103: {  	[bflag:$0x0] =	sbarrier.arrive $0xFFFF  }
0x104: {  	[tilespmem:s29], [sflag:$0x1] =	stream.indirect.gather [hbm4b:s1+s28], $0x40, s14, s28, $0xb8;
	[tilespmem:$0x1BF30] =	vst v63  }
0x105: {  	s14 =	simm.s32 $0xD370  }
0x106: {  	[tilespmem:s31], [sflag:$0x2] =	stream.indirect.gather [hbm4b:s1+s28], $0x40, s14, s28, $0xb8;
	[tilespmem:$0x1BF30] =	vst v63  }
0x107: {  	s25 =	simm.s32 $0xD3F0  }
0x108: {  	[tilespmem:s2], [sflag:$0x3] =	stream.indirect.gather [hbm4b:s1+s28], $0x40, s25, s28, $0xb8;
	[tilespmem:$0x1BF30] =	vst v63  }
0x109: {  	s26 =	simm.s32 $0xD470  }
0x10a: {  	[tilespmem:s7], [sflag:$0x4] =	stream.indirect.gather [hbm4b:s1+s28], $0x40, s26, s28, $0xb8;
	[tilespmem:$0x1BF30] =	vst v63  }
0x10b: {  	_ =	swait.ge [sflag:s8], $0x1F40  }
0x10c: {  	[sflag:s8] =	ssyncset.done $0x0  }
0x10d: {  	s14 =	simm.s32 $0xFAF0;
	[sflag:s8] =	ssyncadd.s32 $0xFFFFE0C0  }
0x10e: {  	[spmem:s4] =	stream.indirect.scatter.add.f32 [tilespmem:s29], [sflag:$0x6], $0x40, s14, s28, $0xb8;
	[tilespmem:$0x1BF30] =	vst v63  }
0x10f: {  	s25 =	simm.s32 $0xD4F0  }
0x110: {  	[tilespmem:s9], [sflag:$0x5] =	stream.indirect.gather [hbm4b:s1+s28], $0x40, s25, s28, $0xb8;
	[tilespmem:$0x1BF30] =	vst v63  }
0x111: {  	_ =	swait.ge [sflag:s16], $0x1F40  }
0x112: {  	[sflag:s16] =	ssyncset.done $0x0  }
0x113: {  	s26 =	simm.s32 $0xFB70;
	[sflag:s16] =	ssyncadd.s32 $0xFFFFE0C0  }
0x114: {  	[spmem:s4] =	stream.indirect.scatter.add.f32 [tilespmem:s31], [sflag:$0x7], $0x40, s26, s28, $0xb8;
	[tilespmem:$0x1BF30] =	vst v63  }
0x115: {  	_ =	swait.ge [sflag:s15], $0x1F40  }
0x116: {  	[sflag:s15] =	ssyncset.done $0x0  }
0x117: {  	s14 =	simm.s32 $0xD570;
	[sflag:s15] =	ssyncadd.s32 $0xFFFFE0C0;
	s15 =	simm.s32 $0x3  }
0x118: {  	[tilespmem:s29], [sflag:$0x1] =	stream.indirect.gather [hbm4b:s1+s28], $0x40, s14, s28, $0xb8;
	[tilespmem:$0x1BF30] =	vst v63  }
0x119: {  	_ =	swait.ge [sflag:s15], $0x1F40  }
0x11a: {  	[sflag:s15] =	ssyncset.done $0x0  }
0x11b: {  	s25 =	simm.s32 $0xFBF0;
	[sflag:s15] =	ssyncadd.s32 $0xFFFFE0C0  }
0x11c: {  	[spmem:s4] =	stream.indirect.scatter.add.f32 [tilespmem:s2], [sflag:$0x8], $0x40, s25, s28, $0xb8;
	[tilespmem:$0x1BF30] =	vst v63  }
0x11d: {  	_ =	swait.ge [sflag:s21], $0x1F40  }
0x11e: {  	[sflag:s21] =	ssyncset.done $0x0  }
0x11f: {  	s26 =	simm.s32 $0xD5F0;
	[sflag:s21] =	ssyncadd.s32 $0xFFFFE0C0  }
0x120: {  	[tilespmem:s31], [sflag:$0x2] =	stream.indirect.gather [hbm4b:s1+s28], $0x40, s26, s28, $0xb8;
	[tilespmem:$0x1BF30] =	vst v63  }
0x121: {  	_ =	swait.ge [sflag:s17], $0x1F40  }
0x122: {  	[sflag:s17] =	ssyncset.done $0x0  }
0x123: {  	s14 =	simm.s32 $0xFC70;
	[sflag:s17] =	ssyncadd.s32 $0xFFFFE0C0  }
0x124: {  	[spmem:s4] =	stream.indirect.scatter.add.f32 [tilespmem:s7], [sflag:$0x9], $0x40, s14, s28, $0xb8;
	[tilespmem:$0x1BF30] =	vst v63  }
0x125: {  	_ =	swait.ge [sflag:s0], $0x1F40  }
0x126: {  	[sflag:s0] =	ssyncset.done $0x0  }
0x127: {  	s15 =	simm.s32 $0xD670;
	[sflag:s0] =	ssyncadd.s32 $0xFFFFE0C0  }
0x128: {  	[tilespmem:s2], [sflag:$0x3] =	stream.indirect.gather [hbm4b:s1+s28], $0x40, s15, s28, $0xb8;
	[tilespmem:$0x1BF30] =	vst v63  }
0x129: {  	_ =	swait.ge [sflag:s18], $0x1F40  }
0x12a: {  	[sflag:s18] =	ssyncset.done $0x0  }
0x12b: {  	s25 =	simm.s32 $0xFCF0;
	[sflag:s18] =	ssyncadd.s32 $0xFFFFE0C0  }
0x12c: {  	[spmem:s4] =	stream.indirect.scatter.add.f32 [tilespmem:s9], [sflag:$0xA], $0x40, s25, s28, $0xb8;
	[tilespmem:$0x1BF30] =	vst v63  }
0x12d: {  	_ =	swait.ge [sflag:s19], $0x1F40  }
0x12e: {  	[sflag:s19] =	ssyncset.done $0x0  }
0x12f: {  	s26 =	simm.s32 $0xD6F0;
	[sflag:s19] =	ssyncadd.s32 $0xFFFFE0C0  }
0x130: {  	[tilespmem:s7], [sflag:$0x4] =	stream.indirect.gather [hbm4b:s1+s28], $0x40, s26, s28, $0xb8;
	[tilespmem:$0x1BF30] =	vst v63  }
.LBB2_5:
0x131: {  	_ =	swait.ge [sflag:s8], $0x1F40  }
0x132: {  	s14 =	sshra.s32 s13, $0x2;
	[sflag:s8] =	ssyncset.done $0x0  }
0x133: {  	s10 =	sadd.s32 $0xFD70, s14;
	[sflag:s8] =	ssyncadd.s32 $0xFFFFE0C0  }
0x134: {  	[spmem:s4] =	stream.indirect.scatter.add.f32 [tilespmem:s29], [sflag:$0x6], $0x40, s10, s28, $0xb8;
	[tilespmem:$0x1BF30] =	vst v63  }
0x135: {  	_ =	swait.ge [sflag:s30], $0x1F40  }
0x136: {  	[sflag:s30] =	ssyncset.done $0x0  }
0x137: {  	s15 =	sadd.s32 $0xD770, s14;
	[sflag:s30] =	ssyncadd.s32 $0xFFFFE0C0  }
0x138: {  	[tilespmem:s9], [sflag:$0x5] =	stream.indirect.gather [hbm4b:s1+s28], $0x40, s15, s28, $0xb8;
	[tilespmem:$0x1BF30] =	vst v63  }
0x139: {  	_ =	swait.ge [sflag:s16], $0x1F40  }
0x13a: {  	p1 =	seq.s32 s13, $0x8C00;
	[sflag:s16] =	ssyncset.done $0x0  }
0x13b: {  	s25 =	sadd.s32 $0xFDF0, s14;
	s10 =	simm.s32 @p1 $0x3;
	[sflag:s16] =	ssyncadd.s32 $0xFFFFE0C0  }
0x13c: {  	[spmem:s4] =	stream.indirect.scatter.add.f32 [tilespmem:s31], [sflag:$0x7], $0x40, s25, s28, $0xb8;
	[tilespmem:$0x1BF30] =	vst v63  }
0x13d: {  	_ =	swait.ge @p1 [sflag:s10], $0x1F40  }
0x13e: {  	[sflag:s10] =	ssyncset.done @p1 $0x0  }
0x13f: {  	[sflag:s10] =	ssyncadd.s32 @p1 $0xFFFFE0C0;
	s10 =	sshra.s32 @p1 s13, $0x2  }
0x140: {  	s26 =	simm.s32 @p1 $0x16170;
	s15 =	simm.s32 @p1 $0x7D;
	s10 =	sadd.s32 @p1 $0xFE70, s10  }
0x141: {  	[spmem:s4] =	stream.indirect.scatter.add.f32 @p1 [tilespmem:s26], [sflag:$0x8], $0x40, s10, s15, $0xb8;
	[tilespmem:$0x1BF30] =	vst v63  }
0x142: {  	s10 =	simm.s32 @!p1 $0x6  }
0x143: {  	_ =	swait.ge @!p1 [sflag:s10], $0x1F40  }
0x144: {  	[sflag:s10] =	ssyncset.done @!p1 $0x0  }
0x145: {  	[sflag:s10] =	ssyncadd.s32 @!p1 $0xFFFFE0C0;
	s10 =	sshra.s32 @!p1 s13, $0x2  }
0x146: {  	s25 =	simm.s32 @!p1 $0x122F0;
	s26 =	simm.s32 @!p1 $0x7D;
	s15 =	sadd.s32 @!p1 $0xD7F0, s10  }
0x147: {  	[tilespmem:s25], [sflag:$0x1] =	stream.indirect.gather @!p1 [hbm4b:s1+s26], $0x40, s15, s26, $0xb8;
	[tilespmem:$0x1BF30] =	vst v63  }
0x148: {  	s15 =	simm.s32 @!p1 $0x3  }
0x149: {  	_ =	swait.ge @!p1 [sflag:s15], $0x1F40  }
0x14a: {  	[sflag:s15] =	ssyncset.done @!p1 $0x0  }
0x14b: {  	s25 =	simm.s32 @!p1 $0x16170;
	[sflag:s15] =	ssyncadd.s32 @!p1 $0xFFFFE0C0;
	s15 =	sadd.s32 @!p1 $0xFE70, s10  }
0x14c: {  	[spmem:s4] =	stream.indirect.scatter.add.f32 @!p1 [tilespmem:s25], [sflag:$0x8], $0x40, s15, s26, $0xb8;
	[tilespmem:$0x1BF30] =	vst v63  }
0x14d: {  	s15 =	simm.s32 @!p1 $0x7  }
0x14e: {  	_ =	swait.ge @!p1 [sflag:s15], $0x1F40  }
0x14f: {  	[sflag:s15] =	ssyncset.done @!p1 $0x0  }
0x150: {  	s10 =	sadd.s32 @!p1 $0xD870, s10;
	[sflag:s15] =	ssyncadd.s32 @!p1 $0xFFFFE0C0;
	s15 =	simm.s32 @!p1 $0x14230  }
0x151: {  	[tilespmem:s15], [sflag:$0x2] =	stream.indirect.gather @!p1 [hbm4b:s1+s26], $0x40, s10, s26, $0xb8;
	[tilespmem:$0x1BF30] =	vst v63  }
.Ltmp4:
0x152: {  	_ = 	snop;
	(pc) =	sbr.rel @p1 .LBB2_7-.Ltmp4, $4  }
0x153: {  	_ =	swait.ge [sflag:s17], $0x1F40  }
0x154: {  	[sflag:s17] =	ssyncset.done $0x0  }
0x155: {  	s26 =	sadd.s32 $0xFEF0, s14;
	[sflag:s17] =	ssyncadd.s32 $0xFFFFE0C0  }
0x156: {  	[spmem:s4] =	stream.indirect.scatter.add.f32 [tilespmem:s7], [sflag:$0x9], $0x40, s26, s28, $0xb8;
	[tilespmem:$0x1BF30] =	vst v63  }
0x157: {  	_ =	swait.ge [sflag:s0], $0x1F40  }
0x158: {  	[sflag:s0] =	ssyncset.done $0x0  }
0x159: {  	s10 =	sadd.s32 $0xD8F0, s14;
	[sflag:s0] =	ssyncadd.s32 $0xFFFFE0C0  }
0x15a: {  	[tilespmem:s2], [sflag:$0x3] =	stream.indirect.gather [hbm4b:s1+s28], $0x40, s10, s28, $0xb8;
	[tilespmem:$0x1BF30] =	vst v63  }
0x15b: {  	_ =	swait.ge [sflag:s18], $0x1F40  }
0x15c: {  	[sflag:s18] =	ssyncset.done $0x0  }
0x15d: {  	s25 =	sadd.s32 $0xFF70, s14;
	[sflag:s18] =	ssyncadd.s32 $0xFFFFE0C0  }
0x15e: {  	[spmem:s4] =	stream.indirect.scatter.add.f32 [tilespmem:s9], [sflag:$0xA], $0x40, s25, s28, $0xb8;
	[tilespmem:$0x1BF30] =	vst v63  }
.Ltmp5:
0x15f: {  	_ = 	snop;
	(pc) =	sbr.rel .LBB2_5-.Ltmp5, $4  }
0x160: {  	_ =	swait.ge [sflag:s19], $0x1F40  }
0x161: {  	[sflag:s19] =	ssyncset.done $0x0  }
0x162: {  	s26 =	sadd.s32 $0xD970, s14;
	s13 =	sadd.s32 $0xA00, s13;
	[sflag:s19] =	ssyncadd.s32 $0xFFFFE0C0  }
0x163: {  	[tilespmem:s7], [sflag:$0x4] =	stream.indirect.gather [hbm4b:s1+s28], $0x40, s26, s28, $0xb8;
	[tilespmem:$0x1BF30] =	vst v63  }
.LBB2_8:
0x164: {  	_ =	sfence.sel $0x180000  }
0x165: {  	[bflag:$0x0] =	sbarrier.arrive $0xFFFF  }
0x166: {  	_ =	strace $0x90000047  }
0x167: {  	s0 =	stileid.u32;
	[bflag:$0x2] =	sbarrier.arrive $0xFFFF  }
0x168: {  	p0 =	sne.s32 s0, $0x0;
	s0 =	rddreg [dreg:$0x5]  }
0x169: {  	s0 =	sadd.s32 @!p0 $0x100000, s0  }
0x16a: {  	[sflag:s0] =	ssyncadd.tile.s32 @!p0 $0x1;
	_ =	shalt  }
.Lfunc_end2:
_tile_overlayer_lowered:
.L_overlay_start_2:
0x16b: {  	(tag) =	ssettag $0x2  }
0x16c: {  	s0 =	rddreg [dreg:$0x0];
	s2 =	stileid.u32  }
0x16d: {  	s1 =	rddreg [dreg:$0x1];
	p0 =	sne.s32 s2, $0x0  }
0x16e: {  	s3 =	rddreg [dreg:$0x2];
	[bflag:$0x3] =	sbarrier.arrive $0xFFFF;
	s2 =	simm.s32 @!p0 $0x1C10  }
0x16f: {  	[timem:s3], [sflag:s2] =	dma.local @!p0 [hbm:s0], s1  }
0x170: {  	s0 =	simm.s32 @!p0 $0x10  }
0x171: {  	_ =	swait.ge @!p0 [sflag:s0], s1  }
0x172: {  	s1 =	ssub.s32 @!p0 $0x0, s1;
	[sflag:s0] =	ssyncset.done @!p0 $0x0  }
0x173: {  	[sflag:s0] =	ssyncadd.s32 @!p0 s1  }
0x174: {  	[bflag:$0x3] =	sbarrier.arrive $0xFFFF  }
0x175: {  	_ =	shalt  }

</sc_bundles>
